<compile_context>
chip_gen: v7x
topology: tpu7x:2x2x1
jax: 0.10.2.dev20260603
libtpu: 0.0.44.dev20260713+nightly
codegen_flags: <defaults>
</compile_context>

<pallas_src>
import jax
import jax.numpy as jnp
from jax import lax
from jax.experimental import pallas as pl
from jax.experimental.pallas import tpu as pltpu
from jax.experimental.pallas import tpu_sc as plsc

B = 4096
S = 200
D = 128
ROW = S * D
RW = S
RC = D
RH1 = 96
RH2 = RW - RH1
NC = 2
NS = 16
NW = NC * NS
BPW = B // NW
NBUF = 4
LOOK = 2


def _sc_body(x_hbm, pt_hbm, i1_hbm, i2_hbm, o_hbm, pe1, pe2, idx1, idx2, shared,
             si0, si1, si2, si3, so0, so1, so2, so3):
    isems = (si0, si1, si2, si3)
    osems = (so0, so1, so2, so3)
    sid = lax.axis_index("s")
    wid = lax.axis_index("c") * NS + sid
    base = wid * BPW

    def xr(g):
        return x_hbm.at[pl.ds((g * NW + wid) * RW, RW)]

    def orf(g):
        return o_hbm.at[pl.ds((g * NW + wid) * RW, RW)]

    def slot(s):
        return shared.at[sid, s]

    def start_in(g, s):
        pltpu.async_copy(xr(g), slot(s), isems[s])

    def wait_in(g, s):
        pltpu.make_async_copy(xr(g), slot(s), isems[s]).wait()

    def start_out(g, s):
        pltpu.async_copy(slot(s), orf(g), osems[s])

    def wait_out(g, s):
        pltpu.make_async_copy(slot(s), orf(g), osems[s]).wait()

    def add_table(s):
        pltpu.sync_copy(pe1, slot(s).at[idx1], add=True)
        pltpu.sync_copy(pe2, slot(s).at[idx2], add=True)

    for g in range(LOOK):
        start_in(g, g % NBUF)

    pltpu.sync_copy(pt_hbm.at[pl.ds(0, RH1)], pe1)
    pltpu.sync_copy(pt_hbm.at[pl.ds(RH1, RH2)], pe2)
    pltpu.sync_copy(i1_hbm, idx1)
    pltpu.sync_copy(i2_hbm, idx2)

    def outer(k, carry):
        for s in range(NBUF):
            g = k * NBUF + s
            nxt = (s + LOOK) % NBUF
            wait_in(g, s)

            @pl.when(g - (NBUF - LOOK) >= 0)
            def _():
                wait_out(g - (NBUF - LOOK), nxt)

            @pl.when(g + LOOK < BPW)
            def _():
                start_in(g + LOOK, nxt)

            add_table(s)
            start_out(g, s)

        return carry

    lax.fori_loop(0, BPW // NBUF, outer, 0, unroll=False)

    for g in range(BPW - (NBUF - LOOK), BPW):
        wait_out(g, g % NBUF)


@jax.jit
def _pe_sc(x2, pt2, i1, i2):
    kern = pl.kernel(
        _sc_body,
        out_type=jax.ShapeDtypeStruct((B * RW, RC), jnp.float32),
        mesh=plsc.VectorSubcoreMesh(
            core_axis_name="c", subcore_axis_name="s",
            num_cores=NC, num_subcores=NS),
        scratch_types=(
            [pltpu.VMEM((RH1, RC), jnp.float32)]
            + [pltpu.VMEM((RH2, RC), jnp.float32)]
            + [pltpu.VMEM((RH1,), jnp.int32)]
            + [pltpu.VMEM((RH2,), jnp.int32)]
            + [pltpu.VMEM_SHARED((NS, NBUF, RW, RC), jnp.float32)]
            + [pltpu.SemaphoreType.DMA] * (2 * NBUF)
        ),
    )
    return kern(x2, pt2, i1, i2)


def kernel(x, pos_table):
    batch, seq, d = x.shape
    i1 = jnp.arange(RH1, dtype=jnp.int32)
    i2 = jnp.arange(RH1, RW, dtype=jnp.int32)
    out = _pe_sc(x.reshape(batch * RW, RC), pos_table.reshape(RW, RC), i1, i2)
    return out.reshape(batch, seq, d)

# --- scband reference (transcript-rebuilt; emitter-appended) ---
"""Pipeline reference for scband-positional-embedding-53609781789247 (READ-ONLY COPY).

The authoritative reference and input builder live on the scoring server;
editing this copy changes nothing except your own understanding.
"""

import jax, jax.numpy as jnp
import numpy as np

D_MODEL = 128
MAX_SEQ_LEN = 200
BATCH = 4096
SEQ = 200


def setup_inputs(seed: int = 0) -> dict:
    key = jax.random.key(seed)
    k1, k2 = jax.random.split(key)
    x = jax.random.normal(k1, (BATCH, SEQ, D_MODEL), dtype=jnp.float32)
    # learned positional embedding table, nn.Embedding(max_seq_len, d_model)
    pos_table = jax.random.normal(k2, (MAX_SEQ_LEN, D_MODEL), dtype=jnp.float32) * 0.02
    return {"x": x, "pos_table": pos_table}


def reference(x, pos_table):
    # PositionalEmbedding.forward: gather position rows and add to input
    seq_len = x.shape[1]
    positions = jnp.arange(seq_len, dtype=jnp.int32)
    pe = jnp.take(pos_table, positions, axis=0)  # [S, D] embedding lookup
    return x + pe[None, :, :]

if __name__ == "__main__":
    import jax
    _d = setup_inputs()
    print(jax.jit(kernel)(*tuple(_d.values())))

</pallas_src>

<mosaic_0001>
#map = affine_map<(d0, d1) -> (0, 0)>
#map1 = affine_map<(d0, d1) -> (0)>
module attributes {stable_mosaic.version = 14 : i64} {
  func.func @_sc_body(%arg0: i32, %arg1: i32, %arg2: memref<819200x128xf32, #tpu.memory_space<hbm>>, %arg3: memref<200x128xf32, #tpu.memory_space<hbm>>, %arg4: memref<96xi32, #tpu.memory_space<hbm>>, %arg5: memref<104xi32, #tpu.memory_space<hbm>>, %arg6: memref<819200x128xf32, #tpu.memory_space<hbm>>, %arg7: memref<96x128xf32, #tpu.memory_space<vmem>>, %arg8: memref<104x128xf32, #tpu.memory_space<vmem>>, %arg9: memref<96xi32, #tpu.memory_space<vmem>>, %arg10: memref<104xi32, #tpu.memory_space<vmem>>, %arg11: memref<16x4x200x128xf32, #tpu.memory_space<vmem_shared>>, %arg12: memref<!tpu.dma_semaphore, #tpu.memory_space<semaphore_mem>>, %arg13: memref<!tpu.dma_semaphore, #tpu.memory_space<semaphore_mem>>, %arg14: memref<!tpu.dma_semaphore, #tpu.memory_space<semaphore_mem>>, %arg15: memref<!tpu.dma_semaphore, #tpu.memory_space<semaphore_mem>>, %arg16: memref<!tpu.dma_semaphore, #tpu.memory_space<semaphore_mem>>, %arg17: memref<!tpu.dma_semaphore, #tpu.memory_space<semaphore_mem>>, %arg18: memref<!tpu.dma_semaphore, #tpu.memory_space<semaphore_mem>>, %arg19: memref<!tpu.dma_semaphore, #tpu.memory_space<semaphore_mem>>) attributes {dimension_semantics = [#tpu.dimension_semantics<core_parallel>, #tpu.dimension_semantics<subcore_parallel>], iteration_bounds = array<i64: 2, 16>, scalar_prefetch = 0 : i64, scratch_operands = 13 : i64, tpu.core_type = #tpu.core_type<sc_vector_subcore>, window_params = [{transform_indices = #map}, {transform_indices = #map}, {transform_indices = #map1}, {transform_indices = #map1}, {transform_indices = #map}]} {
    %mul3A = arith.constant 16 : i32
    %mul3A_0 = arith.muli %arg0, %mul3A : i32
    %add3A = arith.addi %mul3A_0, %arg1 : i32
    %mul3A_1 = arith.constant 128 : i32
    %mul3A_2 = arith.muli %add3A, %mul3A_1 : i32
    %add3A_3 = arith.constant 0 : i32
    %add3A_4 = arith.addi %add3A_3, %add3A : i32
    %mul3A_5 = arith.constant 200 : i32
    %mul3A_6 = arith.muli %add3A_4, %mul3A_5 : i32
    %dma_start3A = arith.constant 0 : i32
    %dma_start3A_7 = arith.constant 0 : i32
    %dma_start3A_8 = arith.constant 0 : i32
    %dma_start3A_9 = tpu.memref_slice %arg11[%arg1, %dma_start3A, %dma_start3A_7, %dma_start3A_8] : memref<16x4x200x128xf32, #tpu.memory_space<vmem_shared>> -> memref<1x1x200x128xf32, #tpu.memory_space<vmem_shared>>
    %dma_start3A_10 = tpu.memref_squeeze %dma_start3A_9 : memref<1x1x200x128xf32, #tpu.memory_space<vmem_shared>> -> memref<200x128xf32, #tpu.memory_space<vmem_shared>>
    %dma_start3A_11 = arith.constant 0 : i32
    %dma_start3A_12 = tpu.memref_slice %arg2[%mul3A_6, %dma_start3A_11] : memref<819200x128xf32, #tpu.memory_space<hbm>> -> memref<200x128xf32, #tpu.memory_space<hbm>>
    tpu.enqueue_dma source(%dma_start3A_12 : memref<200x128xf32, #tpu.memory_space<hbm>>) target(%dma_start3A_10 : memref<200x128xf32, #tpu.memory_space<vmem_shared>>) target_semaphore(%arg12 : memref<!tpu.dma_semaphore, #tpu.memory_space<semaphore_mem>>)
    %add3A_13 = arith.constant 32 : i32
    %add3A_14 = arith.addi %add3A_13, %add3A : i32
    %mul3A_15 = arith.constant 200 : i32
    %mul3A_16 = arith.muli %add3A_14, %mul3A_15 : i32
    %dma_start3A_17 = arith.constant 1 : i32
    %dma_start3A_18 = arith.constant 0 : i32
    %dma_start3A_19 = arith.constant 0 : i32
    %dma_start3A_20 = tpu.memref_slice %arg11[%arg1, %dma_start3A_17, %dma_start3A_18, %dma_start3A_19] : memref<16x4x200x128xf32, #tpu.memory_space<vmem_shared>> -> memref<1x1x200x128xf32, #tpu.memory_space<vmem_shared>>
    %dma_start3A_21 = tpu.memref_squeeze %dma_start3A_20 : memref<1x1x200x128xf32, #tpu.memory_space<vmem_shared>> -> memref<200x128xf32, #tpu.memory_space<vmem_shared>>
    %dma_start3A_22 = arith.constant 0 : i32
    %dma_start3A_23 = tpu.memref_slice %arg2[%mul3A_16, %dma_start3A_22] : memref<819200x128xf32, #tpu.memory_space<hbm>> -> memref<200x128xf32, #tpu.memory_space<hbm>>
    tpu.enqueue_dma source(%dma_start3A_23 : memref<200x128xf32, #tpu.memory_space<hbm>>) target(%dma_start3A_21 : memref<200x128xf32, #tpu.memory_space<vmem_shared>>) target_semaphore(%arg13 : memref<!tpu.dma_semaphore, #tpu.memory_space<semaphore_mem>>)
    "tpu.region"() ({
      %run_scoped3A = tpu.sem_alloc : memref<!tpu.dma_semaphore, #tpu.memory_space<semaphore_mem>>
      %dma_start3A_50 = arith.constant 0 : i32
      %dma_start3A_51 = arith.constant 0 : i32
      %dma_start3A_52 = tpu.memref_slice %arg3[%dma_start3A_50, %dma_start3A_51] : memref<200x128xf32, #tpu.memory_space<hbm>> -> memref<96x128xf32, #tpu.memory_space<hbm>>
      %dma_start3A_53 = arith.constant 0 : i32
      %dma_start3A_54 = arith.constant 0 : i32
      %dma_start3A_55 = tpu.memref_slice %arg3[%dma_start3A_53, %dma_start3A_54] : memref<200x128xf32, #tpu.memory_space<hbm>> -> memref<96x128xf32, #tpu.memory_space<hbm>>
      tpu.enqueue_dma source(%dma_start3A_55 : memref<96x128xf32, #tpu.memory_space<hbm>>) target(%arg7 : memref<96x128xf32, #tpu.memory_space<vmem>>) target_semaphore(%run_scoped3A : memref<!tpu.dma_semaphore, #tpu.memory_space<semaphore_mem>>)
      %dma_wait3A_56 = arith.constant 0 : i32
      %dma_wait3A_57 = arith.constant 0 : i32
      %dma_wait3A_58 = tpu.memref_slice %arg3[%dma_wait3A_56, %dma_wait3A_57] : memref<200x128xf32, #tpu.memory_space<hbm>> -> memref<96x128xf32, #tpu.memory_space<hbm>>
      %dma_wait3A_59 = arith.constant 0 : i32
      %dma_wait3A_60 = arith.constant 0 : i32
      %dma_wait3A_61 = tpu.memref_slice %arg3[%dma_wait3A_59, %dma_wait3A_60] : memref<200x128xf32, #tpu.memory_space<hbm>> -> memref<96x128xf32, #tpu.memory_space<hbm>>
      tpu.wait_dma2 semaphore(%run_scoped3A : memref<!tpu.dma_semaphore, #tpu.memory_space<semaphore_mem>>) src(%dma_wait3A_61 : memref<96x128xf32, #tpu.memory_space<hbm>>) dst(%arg7 : memref<96x128xf32, #tpu.memory_space<vmem>>)
      tpu.yield
    }) : () -> ()
    "tpu.region"() ({
      %run_scoped3A = tpu.sem_alloc : memref<!tpu.dma_semaphore, #tpu.memory_space<semaphore_mem>>
      %dma_start3A_50 = arith.constant 96 : i32
      %dma_start3A_51 = arith.constant 0 : i32
      %dma_start3A_52 = tpu.memref_slice %arg3[%dma_start3A_50, %dma_start3A_51] : memref<200x128xf32, #tpu.memory_space<hbm>> -> memref<104x128xf32, #tpu.memory_space<hbm>>
      %dma_start3A_53 = arith.constant 96 : i32
      %dma_start3A_54 = arith.constant 0 : i32
      %dma_start3A_55 = tpu.memref_slice %arg3[%dma_start3A_53, %dma_start3A_54] : memref<200x128xf32, #tpu.memory_space<hbm>> -> memref<104x128xf32, #tpu.memory_space<hbm>>
      tpu.enqueue_dma source(%dma_start3A_55 : memref<104x128xf32, #tpu.memory_space<hbm>>) target(%arg8 : memref<104x128xf32, #tpu.memory_space<vmem>>) target_semaphore(%run_scoped3A : memref<!tpu.dma_semaphore, #tpu.memory_space<semaphore_mem>>)
      %dma_wait3A_56 = arith.constant 96 : i32
      %dma_wait3A_57 = arith.constant 0 : i32
      %dma_wait3A_58 = tpu.memref_slice %arg3[%dma_wait3A_56, %dma_wait3A_57] : memref<200x128xf32, #tpu.memory_space<hbm>> -> memref<104x128xf32, #tpu.memory_space<hbm>>
      %dma_wait3A_59 = arith.constant 96 : i32
      %dma_wait3A_60 = arith.constant 0 : i32
      %dma_wait3A_61 = tpu.memref_slice %arg3[%dma_wait3A_59, %dma_wait3A_60] : memref<200x128xf32, #tpu.memory_space<hbm>> -> memref<104x128xf32, #tpu.memory_space<hbm>>
      tpu.wait_dma2 semaphore(%run_scoped3A : memref<!tpu.dma_semaphore, #tpu.memory_space<semaphore_mem>>) src(%dma_wait3A_61 : memref<104x128xf32, #tpu.memory_space<hbm>>) dst(%arg8 : memref<104x128xf32, #tpu.memory_space<vmem>>)
      tpu.yield
    }) : () -> ()
    "tpu.region"() ({
      %run_scoped3A = tpu.sem_alloc : memref<!tpu.dma_semaphore, #tpu.memory_space<semaphore_mem>>
      tpu.enqueue_dma source(%arg4 : memref<96xi32, #tpu.memory_space<hbm>>) target(%arg9 : memref<96xi32, #tpu.memory_space<vmem>>) target_semaphore(%run_scoped3A : memref<!tpu.dma_semaphore, #tpu.memory_space<semaphore_mem>>)
      tpu.wait_dma2 semaphore(%run_scoped3A : memref<!tpu.dma_semaphore, #tpu.memory_space<semaphore_mem>>) src(%arg4 : memref<96xi32, #tpu.memory_space<hbm>>) dst(%arg9 : memref<96xi32, #tpu.memory_space<vmem>>)
      tpu.yield
    }) : () -> ()
    "tpu.region"() ({
      %run_scoped3A = tpu.sem_alloc : memref<!tpu.dma_semaphore, #tpu.memory_space<semaphore_mem>>
      tpu.enqueue_dma source(%arg5 : memref<104xi32, #tpu.memory_space<hbm>>) target(%arg10 : memref<104xi32, #tpu.memory_space<vmem>>) target_semaphore(%run_scoped3A : memref<!tpu.dma_semaphore, #tpu.memory_space<semaphore_mem>>)
      tpu.wait_dma2 semaphore(%run_scoped3A : memref<!tpu.dma_semaphore, #tpu.memory_space<semaphore_mem>>) src(%arg5 : memref<104xi32, #tpu.memory_space<hbm>>) dst(%arg10 : memref<104xi32, #tpu.memory_space<vmem>>)
      tpu.yield
    }) : () -> ()
    %scan3A = arith.constant 0 : i32
    %scan3A_24 = arith.constant 0 : i32
    %scan3A_25 = arith.constant 32 : i32
    %scan3A_26 = arith.addi %scan3A_24, %scan3A_25 : i32
    %scan3A_27 = arith.constant 1 : i32
    scf.for %scan3A_50 = %scan3A_24 to %scan3A_26 step %scan3A_27  : i32 {
      %mul3A_51 = arith.constant 4 : i32
      %mul3A_52 = arith.muli %scan3A_50, %mul3A_51 : i32
      %add3A_53 = arith.constant 0 : i32
      %add3A_54 = arith.addi %mul3A_52, %add3A_53 : i32
      %mul3A_55 = arith.constant 32 : i32
      %mul3A_56 = arith.muli %add3A_54, %mul3A_55 : i32
      %add3A_57 = arith.addi %mul3A_56, %add3A : i32
      %mul3A_58 = arith.constant 200 : i32
      %mul3A_59 = arith.muli %add3A_57, %mul3A_58 : i32
      %dma_wait3A_60 = arith.constant 0 : i32
      %dma_wait3A_61 = arith.constant 0 : i32
      %dma_wait3A_62 = arith.constant 0 : i32
      %dma_wait3A_63 = tpu.memref_slice %arg11[%arg1, %dma_wait3A_60, %dma_wait3A_61, %dma_wait3A_62] : memref<16x4x200x128xf32, #tpu.memory_space<vmem_shared>> -> memref<1x1x200x128xf32, #tpu.memory_space<vmem_shared>>
      %dma_wait3A_64 = tpu.memref_squeeze %dma_wait3A_63 : memref<1x1x200x128xf32, #tpu.memory_space<vmem_shared>> -> memref<200x128xf32, #tpu.memory_space<vmem_shared>>
      %dma_wait3A_65 = arith.constant 0 : i32
      %dma_wait3A_66 = tpu.memref_slice %arg2[%mul3A_59, %dma_wait3A_65] : memref<819200x128xf32, #tpu.memory_space<hbm>> -> memref<200x128xf32, #tpu.memory_space<hbm>>
      tpu.wait_dma2 semaphore(%arg12 : memref<!tpu.dma_semaphore, #tpu.memory_space<semaphore_mem>>) src(%dma_wait3A_66 : memref<200x128xf32, #tpu.memory_space<hbm>>) dst(%dma_wait3A_64 : memref<200x128xf32, #tpu.memory_space<vmem_shared>>)
      %sub3A = arith.constant 2 : i32
      %sub3A_67 = arith.subi %add3A_54, %sub3A : i32
      %ge3A = arith.constant 0 : i32
      %ge3A_68 = arith.cmpi sge, %sub3A_67, %ge3A : i32
      %convert_element_type3A = arith.extui %ge3A_68 : i1 to i32
      %cond3A = arith.constant 0 : i32
      %cond3A_69 = arith.cmpi ne, %convert_element_type3A, %cond3A : i32
      scf.if %cond3A_69 {
        %sub3A_221 = arith.constant 2 : i32
        %sub3A_222 = arith.subi %add3A_54, %sub3A_221 : i32
        %mul3A_223 = arith.constant 32 : i32
        %mul3A_224 = arith.muli %sub3A_222, %mul3A_223 : i32
        %add3A_225 = arith.addi %mul3A_224, %add3A : i32
        %mul3A_226 = arith.constant 200 : i32
        %mul3A_227 = arith.muli %add3A_225, %mul3A_226 : i32
        %dma_wait3A_228 = arith.constant 2 : i32
        %dma_wait3A_229 = arith.constant 0 : i32
        %dma_wait3A_230 = tpu.memref_slice %arg6[%mul3A_227, %dma_wait3A_229] : memref<819200x128xf32, #tpu.memory_space<hbm>> -> memref<200x128xf32, #tpu.memory_space<hbm>>
        %dma_wait3A_231 = arith.constant 0 : i32
        %dma_wait3A_232 = arith.constant 0 : i32
        %dma_wait3A_233 = tpu.memref_slice %arg11[%arg1, %dma_wait3A_228, %dma_wait3A_231, %dma_wait3A_232] : memref<16x4x200x128xf32, #tpu.memory_space<vmem_shared>> -> memref<1x1x200x128xf32, #tpu.memory_space<vmem_shared>>
        %dma_wait3A_234 = tpu.memref_squeeze %dma_wait3A_233 : memref<1x1x200x128xf32, #tpu.memory_space<vmem_shared>> -> memref<200x128xf32, #tpu.memory_space<vmem_shared>>
        tpu.wait_dma2 semaphore(%arg18 : memref<!tpu.dma_semaphore, #tpu.memory_space<semaphore_mem>>) src(%dma_wait3A_234 : memref<200x128xf32, #tpu.memory_space<vmem_shared>>) dst(%dma_wait3A_230 : memref<200x128xf32, #tpu.memory_space<hbm>>)
      } else {
      }
      %add3A_70 = arith.constant 2 : i32
      %add3A_71 = arith.addi %add3A_54, %add3A_70 : i32
      %lt3A = arith.constant 128 : i32
      %lt3A_72 = arith.cmpi slt, %add3A_71, %lt3A : i32
      %convert_element_type3A_73 = arith.extui %lt3A_72 : i1 to i32
      %cond3A_74 = arith.constant 0 : i32
      %cond3A_75 = arith.cmpi ne, %convert_element_type3A_73, %cond3A_74 : i32
      scf.if %cond3A_75 {
        %add3A_221 = arith.constant 2 : i32
        %add3A_222 = arith.addi %add3A_54, %add3A_221 : i32
        %mul3A_223 = arith.constant 32 : i32
        %mul3A_224 = arith.muli %add3A_222, %mul3A_223 : i32
        %add3A_225 = arith.addi %mul3A_224, %add3A : i32
        %mul3A_226 = arith.constant 200 : i32
        %mul3A_227 = arith.muli %add3A_225, %mul3A_226 : i32
        %dma_start3A_228 = arith.constant 2 : i32
        %dma_start3A_229 = arith.constant 0 : i32
        %dma_start3A_230 = arith.constant 0 : i32
        %dma_start3A_231 = tpu.memref_slice %arg11[%arg1, %dma_start3A_228, %dma_start3A_229, %dma_start3A_230] : memref<16x4x200x128xf32, #tpu.memory_space<vmem_shared>> -> memref<1x1x200x128xf32, #tpu.memory_space<vmem_shared>>
        %dma_start3A_232 = tpu.memref_squeeze %dma_start3A_231 : memref<1x1x200x128xf32, #tpu.memory_space<vmem_shared>> -> memref<200x128xf32, #tpu.memory_space<vmem_shared>>
        %dma_start3A_233 = arith.constant 0 : i32
        %dma_start3A_234 = tpu.memref_slice %arg2[%mul3A_227, %dma_start3A_233] : memref<819200x128xf32, #tpu.memory_space<hbm>> -> memref<200x128xf32, #tpu.memory_space<hbm>>
        tpu.enqueue_dma source(%dma_start3A_234 : memref<200x128xf32, #tpu.memory_space<hbm>>) target(%dma_start3A_232 : memref<200x128xf32, #tpu.memory_space<vmem_shared>>) target_semaphore(%arg14 : memref<!tpu.dma_semaphore, #tpu.memory_space<semaphore_mem>>)
      } else {
      }
      %run_scoped3A = arith.constant 0 : i32
      "tpu.region"() ({
        %run_scoped3A_221 = tpu.sem_alloc : memref<!tpu.dma_semaphore, #tpu.memory_space<semaphore_mem>>
        %dma_start3A_222 = arith.constant 0 : i32
        %dma_start3A_223 = arith.constant 0 : i32
        %dma_start3A_224 = tpu.memref_slice %arg11[%arg1, %run_scoped3A, %dma_start3A_222, %dma_start3A_223] : memref<16x4x200x128xf32, #tpu.memory_space<vmem_shared>> -> memref<1x1x200x128xf32, #tpu.memory_space<vmem_shared>>
        %dma_start3A_225 = tpu.memref_squeeze %dma_start3A_224 : memref<1x1x200x128xf32, #tpu.memory_space<vmem_shared>> -> memref<200x128xf32, #tpu.memory_space<vmem_shared>>
        %dma_start3A_226 = arith.constant 0 : i32
        %dma_start3A_227 = arith.constant 0 : i32
        %dma_start3A_228 = tpu.memref_slice %dma_start3A_225[%dma_start3A_226, %dma_start3A_227] : memref<200x128xf32, #tpu.memory_space<vmem_shared>> -> memref<200x128xf32, #tpu.memory_space<vmem_shared>>
        tpu.enqueue_indirect_dma source(%arg7 : memref<96x128xf32, #tpu.memory_space<vmem>>) target(%dma_start3A_228 : memref<200x128xf32, #tpu.memory_space<vmem_shared>>) offsets(%arg9 : memref<96xi32, #tpu.memory_space<vmem>>) semaphore(%run_scoped3A_221 : memref<!tpu.dma_semaphore, #tpu.memory_space<semaphore_mem>>) {add = true}
        %dma_wait3A_229 = arith.constant 0 : i32
        %dma_wait3A_230 = arith.constant 0 : i32
        %dma_wait3A_231 = tpu.memref_slice %arg11[%arg1, %run_scoped3A, %dma_wait3A_229, %dma_wait3A_230] : memref<16x4x200x128xf32, #tpu.memory_space<vmem_shared>> -> memref<1x1x200x128xf32, #tpu.memory_space<vmem_shared>>
        %dma_wait3A_232 = tpu.memref_squeeze %dma_wait3A_231 : memref<1x1x200x128xf32, #tpu.memory_space<vmem_shared>> -> memref<200x128xf32, #tpu.memory_space<vmem_shared>>
        %dma_wait3A_233 = arith.constant 0 : i32
        %dma_wait3A_234 = arith.constant 0 : i32
        %dma_wait3A_235 = tpu.memref_slice %dma_wait3A_232[%dma_wait3A_233, %dma_wait3A_234] : memref<200x128xf32, #tpu.memory_space<vmem_shared>> -> memref<200x128xf32, #tpu.memory_space<vmem_shared>>
        tpu.wait_indirect_dma semaphore(%run_scoped3A_221 : memref<!tpu.dma_semaphore, #tpu.memory_space<semaphore_mem>>) src(%arg7 : memref<96x128xf32, #tpu.memory_space<vmem>>) dst(%dma_wait3A_235 : memref<200x128xf32, #tpu.memory_space<vmem_shared>>)
        tpu.yield
      }) : () -> ()
      %run_scoped3A_76 = arith.constant 0 : i32
      "tpu.region"() ({
        %run_scoped3A_221 = tpu.sem_alloc : memref<!tpu.dma_semaphore, #tpu.memory_space<semaphore_mem>>
        %dma_start3A_222 = arith.constant 0 : i32
        %dma_start3A_223 = arith.constant 0 : i32
        %dma_start3A_224 = tpu.memref_slice %arg11[%arg1, %run_scoped3A_76, %dma_start3A_222, %dma_start3A_223] : memref<16x4x200x128xf32, #tpu.memory_space<vmem_shared>> -> memref<1x1x200x128xf32, #tpu.memory_space<vmem_shared>>
        %dma_start3A_225 = tpu.memref_squeeze %dma_start3A_224 : memref<1x1x200x128xf32, #tpu.memory_space<vmem_shared>> -> memref<200x128xf32, #tpu.memory_space<vmem_shared>>
        %dma_start3A_226 = arith.constant 0 : i32
        %dma_start3A_227 = arith.constant 0 : i32
        %dma_start3A_228 = tpu.memref_slice %dma_start3A_225[%dma_start3A_226, %dma_start3A_227] : memref<200x128xf32, #tpu.memory_space<vmem_shared>> -> memref<200x128xf32, #tpu.memory_space<vmem_shared>>
        tpu.enqueue_indirect_dma source(%arg8 : memref<104x128xf32, #tpu.memory_space<vmem>>) target(%dma_start3A_228 : memref<200x128xf32, #tpu.memory_space<vmem_shared>>) offsets(%arg10 : memref<104xi32, #tpu.memory_space<vmem>>) semaphore(%run_scoped3A_221 : memref<!tpu.dma_semaphore, #tpu.memory_space<semaphore_mem>>) {add = true}
        %dma_wait3A_229 = arith.constant 0 : i32
        %dma_wait3A_230 = arith.constant 0 : i32
        %dma_wait3A_231 = tpu.memref_slice %arg11[%arg1, %run_scoped3A_76, %dma_wait3A_229, %dma_wait3A_230] : memref<16x4x200x128xf32, #tpu.memory_space<vmem_shared>> -> memref<1x1x200x128xf32, #tpu.memory_space<vmem_shared>>
        %dma_wait3A_232 = tpu.memref_squeeze %dma_wait3A_231 : memref<1x1x200x128xf32, #tpu.memory_space<vmem_shared>> -> memref<200x128xf32, #tpu.memory_space<vmem_shared>>
        %dma_wait3A_233 = arith.constant 0 : i32
        %dma_wait3A_234 = arith.constant 0 : i32
        %dma_wait3A_235 = tpu.memref_slice %dma_wait3A_232[%dma_wait3A_233, %dma_wait3A_234] : memref<200x128xf32, #tpu.memory_space<vmem_shared>> -> memref<200x128xf32, #tpu.memory_space<vmem_shared>>
        tpu.wait_indirect_dma semaphore(%run_scoped3A_221 : memref<!tpu.dma_semaphore, #tpu.memory_space<semaphore_mem>>) src(%arg8 : memref<104x128xf32, #tpu.memory_space<vmem>>) dst(%dma_wait3A_235 : memref<200x128xf32, #tpu.memory_space<vmem_shared>>)
        tpu.yield
      }) : () -> ()
      %mul3A_77 = arith.constant 32 : i32
      %mul3A_78 = arith.muli %add3A_54, %mul3A_77 : i32
      %add3A_79 = arith.addi %mul3A_78, %add3A : i32
      %mul3A_80 = arith.constant 200 : i32
      %mul3A_81 = arith.muli %add3A_79, %mul3A_80 : i32
      %dma_start3A_82 = arith.constant 0 : i32
      %dma_start3A_83 = arith.constant 0 : i32
      %dma_start3A_84 = tpu.memref_slice %arg6[%mul3A_81, %dma_start3A_83] : memref<819200x128xf32, #tpu.memory_space<hbm>> -> memref<200x128xf32, #tpu.memory_space<hbm>>
      %dma_start3A_85 = arith.constant 0 : i32
      %dma_start3A_86 = arith.constant 0 : i32
      %dma_start3A_87 = tpu.memref_slice %arg11[%arg1, %dma_start3A_82, %dma_start3A_85, %dma_start3A_86] : memref<16x4x200x128xf32, #tpu.memory_space<vmem_shared>> -> memref<1x1x200x128xf32, #tpu.memory_space<vmem_shared>>
      %dma_start3A_88 = tpu.memref_squeeze %dma_start3A_87 : memref<1x1x200x128xf32, #tpu.memory_space<vmem_shared>> -> memref<200x128xf32, #tpu.memory_space<vmem_shared>>
      tpu.enqueue_dma source(%dma_start3A_88 : memref<200x128xf32, #tpu.memory_space<vmem_shared>>) target(%dma_start3A_84 : memref<200x128xf32, #tpu.memory_space<hbm>>) target_semaphore(%arg16 : memref<!tpu.dma_semaphore, #tpu.memory_space<semaphore_mem>>)
      %mul3A_89 = arith.constant 4 : i32
      %mul3A_90 = arith.muli %scan3A_50, %mul3A_89 : i32
      %add3A_91 = arith.constant 1 : i32
      %add3A_92 = arith.addi %mul3A_90, %add3A_91 : i32
      %mul3A_93 = arith.constant 32 : i32
      %mul3A_94 = arith.muli %add3A_92, %mul3A_93 : i32
      %add3A_95 = arith.addi %mul3A_94, %add3A : i32
      %mul3A_96 = arith.constant 200 : i32
      %mul3A_97 = arith.muli %add3A_95, %mul3A_96 : i32
      %dma_wait3A_98 = arith.constant 1 : i32
      %dma_wait3A_99 = arith.constant 0 : i32
      %dma_wait3A_100 = arith.constant 0 : i32
      %dma_wait3A_101 = tpu.memref_slice %arg11[%arg1, %dma_wait3A_98, %dma_wait3A_99, %dma_wait3A_100] : memref<16x4x200x128xf32, #tpu.memory_space<vmem_shared>> -> memref<1x1x200x128xf32, #tpu.memory_space<vmem_shared>>
      %dma_wait3A_102 = tpu.memref_squeeze %dma_wait3A_101 : memref<1x1x200x128xf32, #tpu.memory_space<vmem_shared>> -> memref<200x128xf32, #tpu.memory_space<vmem_shared>>
      %dma_wait3A_103 = arith.constant 0 : i32
      %dma_wait3A_104 = tpu.memref_slice %arg2[%mul3A_97, %dma_wait3A_103] : memref<819200x128xf32, #tpu.memory_space<hbm>> -> memref<200x128xf32, #tpu.memory_space<hbm>>
      tpu.wait_dma2 semaphore(%arg13 : memref<!tpu.dma_semaphore, #tpu.memory_space<semaphore_mem>>) src(%dma_wait3A_104 : memref<200x128xf32, #tpu.memory_space<hbm>>) dst(%dma_wait3A_102 : memref<200x128xf32, #tpu.memory_space<vmem_shared>>)
      %sub3A_105 = arith.constant 2 : i32
      %sub3A_106 = arith.subi %add3A_92, %sub3A_105 : i32
      %ge3A_107 = arith.constant 0 : i32
      %ge3A_108 = arith.cmpi sge, %sub3A_106, %ge3A_107 : i32
      %convert_element_type3A_109 = arith.extui %ge3A_108 : i1 to i32
      %cond3A_110 = arith.constant 0 : i32
      %cond3A_111 = arith.cmpi ne, %convert_element_type3A_109, %cond3A_110 : i32
      scf.if %cond3A_111 {
        %sub3A_221 = arith.constant 2 : i32
        %sub3A_222 = arith.subi %add3A_92, %sub3A_221 : i32
        %mul3A_223 = arith.constant 32 : i32
        %mul3A_224 = arith.muli %sub3A_222, %mul3A_223 : i32
        %add3A_225 = arith.addi %mul3A_224, %add3A : i32
        %mul3A_226 = arith.constant 200 : i32
        %mul3A_227 = arith.muli %add3A_225, %mul3A_226 : i32
        %dma_wait3A_228 = arith.constant 3 : i32
        %dma_wait3A_229 = arith.constant 0 : i32
        %dma_wait3A_230 = tpu.memref_slice %arg6[%mul3A_227, %dma_wait3A_229] : memref<819200x128xf32, #tpu.memory_space<hbm>> -> memref<200x128xf32, #tpu.memory_space<hbm>>
        %dma_wait3A_231 = arith.constant 0 : i32
        %dma_wait3A_232 = arith.constant 0 : i32
        %dma_wait3A_233 = tpu.memref_slice %arg11[%arg1, %dma_wait3A_228, %dma_wait3A_231, %dma_wait3A_232] : memref<16x4x200x128xf32, #tpu.memory_space<vmem_shared>> -> memref<1x1x200x128xf32, #tpu.memory_space<vmem_shared>>
        %dma_wait3A_234 = tpu.memref_squeeze %dma_wait3A_233 : memref<1x1x200x128xf32, #tpu.memory_space<vmem_shared>> -> memref<200x128xf32, #tpu.memory_space<vmem_shared>>
        tpu.wait_dma2 semaphore(%arg19 : memref<!tpu.dma_semaphore, #tpu.memory_space<semaphore_mem>>) src(%dma_wait3A_234 : memref<200x128xf32, #tpu.memory_space<vmem_shared>>) dst(%dma_wait3A_230 : memref<200x128xf32, #tpu.memory_space<hbm>>)
      } else {
      }
      %add3A_112 = arith.constant 2 : i32
      %add3A_113 = arith.addi %add3A_92, %add3A_112 : i32
      %lt3A_114 = arith.constant 128 : i32
      %lt3A_115 = arith.cmpi slt, %add3A_113, %lt3A_114 : i32
      %convert_element_type3A_116 = arith.extui %lt3A_115 : i1 to i32
      %cond3A_117 = arith.constant 0 : i32
      %cond3A_118 = arith.cmpi ne, %convert_element_type3A_116, %cond3A_117 : i32
      scf.if %cond3A_118 {
        %add3A_221 = arith.constant 2 : i32
        %add3A_222 = arith.addi %add3A_92, %add3A_221 : i32
        %mul3A_223 = arith.constant 32 : i32
        %mul3A_224 = arith.muli %add3A_222, %mul3A_223 : i32
        %add3A_225 = arith.addi %mul3A_224, %add3A : i32
        %mul3A_226 = arith.constant 200 : i32
        %mul3A_227 = arith.muli %add3A_225, %mul3A_226 : i32
        %dma_start3A_228 = arith.constant 3 : i32
        %dma_start3A_229 = arith.constant 0 : i32
        %dma_start3A_230 = arith.constant 0 : i32
        %dma_start3A_231 = tpu.memref_slice %arg11[%arg1, %dma_start3A_228, %dma_start3A_229, %dma_start3A_230] : memref<16x4x200x128xf32, #tpu.memory_space<vmem_shared>> -> memref<1x1x200x128xf32, #tpu.memory_space<vmem_shared>>
        %dma_start3A_232 = tpu.memref_squeeze %dma_start3A_231 : memref<1x1x200x128xf32, #tpu.memory_space<vmem_shared>> -> memref<200x128xf32, #tpu.memory_space<vmem_shared>>
        %dma_start3A_233 = arith.constant 0 : i32
        %dma_start3A_234 = tpu.memref_slice %arg2[%mul3A_227, %dma_start3A_233] : memref<819200x128xf32, #tpu.memory_space<hbm>> -> memref<200x128xf32, #tpu.memory_space<hbm>>
        tpu.enqueue_dma source(%dma_start3A_234 : memref<200x128xf32, #tpu.memory_space<hbm>>) target(%dma_start3A_232 : memref<200x128xf32, #tpu.memory_space<vmem_shared>>) target_semaphore(%arg15 : memref<!tpu.dma_semaphore, #tpu.memory_space<semaphore_mem>>)
      } else {
      }
      %run_scoped3A_119 = arith.constant 1 : i32
      "tpu.region"() ({
        %run_scoped3A_221 = tpu.sem_alloc : memref<!tpu.dma_semaphore, #tpu.memory_space<semaphore_mem>>
        %dma_start3A_222 = arith.constant 0 : i32
        %dma_start3A_223 = arith.constant 0 : i32
        %dma_start3A_224 = tpu.memref_slice %arg11[%arg1, %run_scoped3A_119, %dma_start3A_222, %dma_start3A_223] : memref<16x4x200x128xf32, #tpu.memory_space<vmem_shared>> -> memref<1x1x200x128xf32, #tpu.memory_space<vmem_shared>>
        %dma_start3A_225 = tpu.memref_squeeze %dma_start3A_224 : memref<1x1x200x128xf32, #tpu.memory_space<vmem_shared>> -> memref<200x128xf32, #tpu.memory_space<vmem_shared>>
        %dma_start3A_226 = arith.constant 0 : i32
        %dma_start3A_227 = arith.constant 0 : i32
        %dma_start3A_228 = tpu.memref_slice %dma_start3A_225[%dma_start3A_226, %dma_start3A_227] : memref<200x128xf32, #tpu.memory_space<vmem_shared>> -> memref<200x128xf32, #tpu.memory_space<vmem_shared>>
        tpu.enqueue_indirect_dma source(%arg7 : memref<96x128xf32, #tpu.memory_space<vmem>>) target(%dma_start3A_228 : memref<200x128xf32, #tpu.memory_space<vmem_shared>>) offsets(%arg9 : memref<96xi32, #tpu.memory_space<vmem>>) semaphore(%run_scoped3A_221 : memref<!tpu.dma_semaphore, #tpu.memory_space<semaphore_mem>>) {add = true}
        %dma_wait3A_229 = arith.constant 0 : i32
        %dma_wait3A_230 = arith.constant 0 : i32
        %dma_wait3A_231 = tpu.memref_slice %arg11[%arg1, %run_scoped3A_119, %dma_wait3A_229, %dma_wait3A_230] : memref<16x4x200x128xf32, #tpu.memory_space<vmem_shared>> -> memref<1x1x200x128xf32, #tpu.memory_space<vmem_shared>>
        %dma_wait3A_232 = tpu.memref_squeeze %dma_wait3A_231 : memref<1x1x200x128xf32, #tpu.memory_space<vmem_shared>> -> memref<200x128xf32, #tpu.memory_space<vmem_shared>>
        %dma_wait3A_233 = arith.constant 0 : i32
        %dma_wait3A_234 = arith.constant 0 : i32
        %dma_wait3A_235 = tpu.memref_slice %dma_wait3A_232[%dma_wait3A_233, %dma_wait3A_234] : memref<200x128xf32, #tpu.memory_space<vmem_shared>> -> memref<200x128xf32, #tpu.memory_space<vmem_shared>>
        tpu.wait_indirect_dma semaphore(%run_scoped3A_221 : memref<!tpu.dma_semaphore, #tpu.memory_space<semaphore_mem>>) src(%arg7 : memref<96x128xf32, #tpu.memory_space<vmem>>) dst(%dma_wait3A_235 : memref<200x128xf32, #tpu.memory_space<vmem_shared>>)
        tpu.yield
      }) : () -> ()
      %run_scoped3A_120 = arith.constant 1 : i32
      "tpu.region"() ({
        %run_scoped3A_221 = tpu.sem_alloc : memref<!tpu.dma_semaphore, #tpu.memory_space<semaphore_mem>>
        %dma_start3A_222 = arith.constant 0 : i32
        %dma_start3A_223 = arith.constant 0 : i32
        %dma_start3A_224 = tpu.memref_slice %arg11[%arg1, %run_scoped3A_120, %dma_start3A_222, %dma_start3A_223] : memref<16x4x200x128xf32, #tpu.memory_space<vmem_shared>> -> memref<1x1x200x128xf32, #tpu.memory_space<vmem_shared>>
        %dma_start3A_225 = tpu.memref_squeeze %dma_start3A_224 : memref<1x1x200x128xf32, #tpu.memory_space<vmem_shared>> -> memref<200x128xf32, #tpu.memory_space<vmem_shared>>
        %dma_start3A_226 = arith.constant 0 : i32
        %dma_start3A_227 = arith.constant 0 : i32
        %dma_start3A_228 = tpu.memref_slice %dma_start3A_225[%dma_start3A_226, %dma_start3A_227] : memref<200x128xf32, #tpu.memory_space<vmem_shared>> -> memref<200x128xf32, #tpu.memory_space<vmem_shared>>
        tpu.enqueue_indirect_dma source(%arg8 : memref<104x128xf32, #tpu.memory_space<vmem>>) target(%dma_start3A_228 : memref<200x128xf32, #tpu.memory_space<vmem_shared>>) offsets(%arg10 : memref<104xi32, #tpu.memory_space<vmem>>) semaphore(%run_scoped3A_221 : memref<!tpu.dma_semaphore, #tpu.memory_space<semaphore_mem>>) {add = true}
        %dma_wait3A_229 = arith.constant 0 : i32
        %dma_wait3A_230 = arith.constant 0 : i32
        %dma_wait3A_231 = tpu.memref_slice %arg11[%arg1, %run_scoped3A_120, %dma_wait3A_229, %dma_wait3A_230] : memref<16x4x200x128xf32, #tpu.memory_space<vmem_shared>> -> memref<1x1x200x128xf32, #tpu.memory_space<vmem_shared>>
        %dma_wait3A_232 = tpu.memref_squeeze %dma_wait3A_231 : memref<1x1x200x128xf32, #tpu.memory_space<vmem_shared>> -> memref<200x128xf32, #tpu.memory_space<vmem_shared>>
        %dma_wait3A_233 = arith.constant 0 : i32
        %dma_wait3A_234 = arith.constant 0 : i32
        %dma_wait3A_235 = tpu.memref_slice %dma_wait3A_232[%dma_wait3A_233, %dma_wait3A_234] : memref<200x128xf32, #tpu.memory_space<vmem_shared>> -> memref<200x128xf32, #tpu.memory_space<vmem_shared>>
        tpu.wait_indirect_dma semaphore(%run_scoped3A_221 : memref<!tpu.dma_semaphore, #tpu.memory_space<semaphore_mem>>) src(%arg8 : memref<104x128xf32, #tpu.memory_space<vmem>>) dst(%dma_wait3A_235 : memref<200x128xf32, #tpu.memory_space<vmem_shared>>)
        tpu.yield
      }) : () -> ()
      %mul3A_121 = arith.constant 32 : i32
      %mul3A_122 = arith.muli %add3A_92, %mul3A_121 : i32
      %add3A_123 = arith.addi %mul3A_122, %add3A : i32
      %mul3A_124 = arith.constant 200 : i32
      %mul3A_125 = arith.muli %add3A_123, %mul3A_124 : i32
      %dma_start3A_126 = arith.constant 1 : i32
      %dma_start3A_127 = arith.constant 0 : i32
      %dma_start3A_128 = tpu.memref_slice %arg6[%mul3A_125, %dma_start3A_127] : memref<819200x128xf32, #tpu.memory_space<hbm>> -> memref<200x128xf32, #tpu.memory_space<hbm>>
      %dma_start3A_129 = arith.constant 0 : i32
      %dma_start3A_130 = arith.constant 0 : i32
      %dma_start3A_131 = tpu.memref_slice %arg11[%arg1, %dma_start3A_126, %dma_start3A_129, %dma_start3A_130] : memref<16x4x200x128xf32, #tpu.memory_space<vmem_shared>> -> memref<1x1x200x128xf32, #tpu.memory_space<vmem_shared>>
      %dma_start3A_132 = tpu.memref_squeeze %dma_start3A_131 : memref<1x1x200x128xf32, #tpu.memory_space<vmem_shared>> -> memref<200x128xf32, #tpu.memory_space<vmem_shared>>
      tpu.enqueue_dma source(%dma_start3A_132 : memref<200x128xf32, #tpu.memory_space<vmem_shared>>) target(%dma_start3A_128 : memref<200x128xf32, #tpu.memory_space<hbm>>) target_semaphore(%arg17 : memref<!tpu.dma_semaphore, #tpu.memory_space<semaphore_mem>>)
      %mul3A_133 = arith.constant 4 : i32
      %mul3A_134 = arith.muli %scan3A_50, %mul3A_133 : i32
      %add3A_135 = arith.constant 2 : i32
      %add3A_136 = arith.addi %mul3A_134, %add3A_135 : i32
      %mul3A_137 = arith.constant 32 : i32
      %mul3A_138 = arith.muli %add3A_136, %mul3A_137 : i32
      %add3A_139 = arith.addi %mul3A_138, %add3A : i32
      %mul3A_140 = arith.constant 200 : i32
      %mul3A_141 = arith.muli %add3A_139, %mul3A_140 : i32
      %dma_wait3A_142 = arith.constant 2 : i32
      %dma_wait3A_143 = arith.constant 0 : i32
      %dma_wait3A_144 = arith.constant 0 : i32
      %dma_wait3A_145 = tpu.memref_slice %arg11[%arg1, %dma_wait3A_142, %dma_wait3A_143, %dma_wait3A_144] : memref<16x4x200x128xf32, #tpu.memory_space<vmem_shared>> -> memref<1x1x200x128xf32, #tpu.memory_space<vmem_shared>>
      %dma_wait3A_146 = tpu.memref_squeeze %dma_wait3A_145 : memref<1x1x200x128xf32, #tpu.memory_space<vmem_shared>> -> memref<200x128xf32, #tpu.memory_space<vmem_shared>>
      %dma_wait3A_147 = arith.constant 0 : i32
      %dma_wait3A_148 = tpu.memref_slice %arg2[%mul3A_141, %dma_wait3A_147] : memref<819200x128xf32, #tpu.memory_space<hbm>> -> memref<200x128xf32, #tpu.memory_space<hbm>>
      tpu.wait_dma2 semaphore(%arg14 : memref<!tpu.dma_semaphore, #tpu.memory_space<semaphore_mem>>) src(%dma_wait3A_148 : memref<200x128xf32, #tpu.memory_space<hbm>>) dst(%dma_wait3A_146 : memref<200x128xf32, #tpu.memory_space<vmem_shared>>)
      %sub3A_149 = arith.constant 2 : i32
      %sub3A_150 = arith.subi %add3A_136, %sub3A_149 : i32
      %ge3A_151 = arith.constant 0 : i32
      %ge3A_152 = arith.cmpi sge, %sub3A_150, %ge3A_151 : i32
      %convert_element_type3A_153 = arith.extui %ge3A_152 : i1 to i32
      %cond3A_154 = arith.constant 0 : i32
      %cond3A_155 = arith.cmpi ne, %convert_element_type3A_153, %cond3A_154 : i32
      scf.if %cond3A_155 {
        %sub3A_221 = arith.constant 2 : i32
        %sub3A_222 = arith.subi %add3A_136, %sub3A_221 : i32
        %mul3A_223 = arith.constant 32 : i32
        %mul3A_224 = arith.muli %sub3A_222, %mul3A_223 : i32
        %add3A_225 = arith.addi %mul3A_224, %add3A : i32
        %mul3A_226 = arith.constant 200 : i32
        %mul3A_227 = arith.muli %add3A_225, %mul3A_226 : i32
        %dma_wait3A_228 = arith.constant 0 : i32
        %dma_wait3A_229 = arith.constant 0 : i32
        %dma_wait3A_230 = tpu.memref_slice %arg6[%mul3A_227, %dma_wait3A_229] : memref<819200x128xf32, #tpu.memory_space<hbm>> -> memref<200x128xf32, #tpu.memory_space<hbm>>
        %dma_wait3A_231 = arith.constant 0 : i32
        %dma_wait3A_232 = arith.constant 0 : i32
        %dma_wait3A_233 = tpu.memref_slice %arg11[%arg1, %dma_wait3A_228, %dma_wait3A_231, %dma_wait3A_232] : memref<16x4x200x128xf32, #tpu.memory_space<vmem_shared>> -> memref<1x1x200x128xf32, #tpu.memory_space<vmem_shared>>
        %dma_wait3A_234 = tpu.memref_squeeze %dma_wait3A_233 : memref<1x1x200x128xf32, #tpu.memory_space<vmem_shared>> -> memref<200x128xf32, #tpu.memory_space<vmem_shared>>
        tpu.wait_dma2 semaphore(%arg16 : memref<!tpu.dma_semaphore, #tpu.memory_space<semaphore_mem>>) src(%dma_wait3A_234 : memref<200x128xf32, #tpu.memory_space<vmem_shared>>) dst(%dma_wait3A_230 : memref<200x128xf32, #tpu.memory_space<hbm>>)
      } else {
      }
      %add3A_156 = arith.constant 2 : i32
      %add3A_157 = arith.addi %add3A_136, %add3A_156 : i32
      %lt3A_158 = arith.constant 128 : i32
      %lt3A_159 = arith.cmpi slt, %add3A_157, %lt3A_158 : i32
      %convert_element_type3A_160 = arith.extui %lt3A_159 : i1 to i32
      %cond3A_161 = arith.constant 0 : i32
      %cond3A_162 = arith.cmpi ne, %convert_element_type3A_160, %cond3A_161 : i32
      scf.if %cond3A_162 {
        %add3A_221 = arith.constant 2 : i32
        %add3A_222 = arith.addi %add3A_136, %add3A_221 : i32
        %mul3A_223 = arith.constant 32 : i32
        %mul3A_224 = arith.muli %add3A_222, %mul3A_223 : i32
        %add3A_225 = arith.addi %mul3A_224, %add3A : i32
        %mul3A_226 = arith.constant 200 : i32
        %mul3A_227 = arith.muli %add3A_225, %mul3A_226 : i32
        %dma_start3A_228 = arith.constant 0 : i32
        %dma_start3A_229 = arith.constant 0 : i32
        %dma_start3A_230 = arith.constant 0 : i32
        %dma_start3A_231 = tpu.memref_slice %arg11[%arg1, %dma_start3A_228, %dma_start3A_229, %dma_start3A_230] : memref<16x4x200x128xf32, #tpu.memory_space<vmem_shared>> -> memref<1x1x200x128xf32, #tpu.memory_space<vmem_shared>>
        %dma_start3A_232 = tpu.memref_squeeze %dma_start3A_231 : memref<1x1x200x128xf32, #tpu.memory_space<vmem_shared>> -> memref<200x128xf32, #tpu.memory_space<vmem_shared>>
        %dma_start3A_233 = arith.constant 0 : i32
        %dma_start3A_234 = tpu.memref_slice %arg2[%mul3A_227, %dma_start3A_233] : memref<819200x128xf32, #tpu.memory_space<hbm>> -> memref<200x128xf32, #tpu.memory_space<hbm>>
        tpu.enqueue_dma source(%dma_start3A_234 : memref<200x128xf32, #tpu.memory_space<hbm>>) target(%dma_start3A_232 : memref<200x128xf32, #tpu.memory_space<vmem_shared>>) target_semaphore(%arg12 : memref<!tpu.dma_semaphore, #tpu.memory_space<semaphore_mem>>)
      } else {
      }
      %run_scoped3A_163 = arith.constant 2 : i32
      "tpu.region"() ({
        %run_scoped3A_221 = tpu.sem_alloc : memref<!tpu.dma_semaphore, #tpu.memory_space<semaphore_mem>>
        %dma_start3A_222 = arith.constant 0 : i32
        %dma_start3A_223 = arith.constant 0 : i32
        %dma_start3A_224 = tpu.memref_slice %arg11[%arg1, %run_scoped3A_163, %dma_start3A_222, %dma_start3A_223] : memref<16x4x200x128xf32, #tpu.memory_space<vmem_shared>> -> memref<1x1x200x128xf32, #tpu.memory_space<vmem_shared>>
        %dma_start3A_225 = tpu.memref_squeeze %dma_start3A_224 : memref<1x1x200x128xf32, #tpu.memory_space<vmem_shared>> -> memref<200x128xf32, #tpu.memory_space<vmem_shared>>
        %dma_start3A_226 = arith.constant 0 : i32
        %dma_start3A_227 = arith.constant 0 : i32
        %dma_start3A_228 = tpu.memref_slice %dma_start3A_225[%dma_start3A_226, %dma_start3A_227] : memref<200x128xf32, #tpu.memory_space<vmem_shared>> -> memref<200x128xf32, #tpu.memory_space<vmem_shared>>
        tpu.enqueue_indirect_dma source(%arg7 : memref<96x128xf32, #tpu.memory_space<vmem>>) target(%dma_start3A_228 : memref<200x128xf32, #tpu.memory_space<vmem_shared>>) offsets(%arg9 : memref<96xi32, #tpu.memory_space<vmem>>) semaphore(%run_scoped3A_221 : memref<!tpu.dma_semaphore, #tpu.memory_space<semaphore_mem>>) {add = true}
        %dma_wait3A_229 = arith.constant 0 : i32
        %dma_wait3A_230 = arith.constant 0 : i32
        %dma_wait3A_231 = tpu.memref_slice %arg11[%arg1, %run_scoped3A_163, %dma_wait3A_229, %dma_wait3A_230] : memref<16x4x200x128xf32, #tpu.memory_space<vmem_shared>> -> memref<1x1x200x128xf32, #tpu.memory_space<vmem_shared>>
        %dma_wait3A_232 = tpu.memref_squeeze %dma_wait3A_231 : memref<1x1x200x128xf32, #tpu.memory_space<vmem_shared>> -> memref<200x128xf32, #tpu.memory_space<vmem_shared>>
        %dma_wait3A_233 = arith.constant 0 : i32
        %dma_wait3A_234 = arith.constant 0 : i32
        %dma_wait3A_235 = tpu.memref_slice %dma_wait3A_232[%dma_wait3A_233, %dma_wait3A_234] : memref<200x128xf32, #tpu.memory_space<vmem_shared>> -> memref<200x128xf32, #tpu.memory_space<vmem_shared>>
        tpu.wait_indirect_dma semaphore(%run_scoped3A_221 : memref<!tpu.dma_semaphore, #tpu.memory_space<semaphore_mem>>) src(%arg7 : memref<96x128xf32, #tpu.memory_space<vmem>>) dst(%dma_wait3A_235 : memref<200x128xf32, #tpu.memory_space<vmem_shared>>)
        tpu.yield
      }) : () -> ()
      %run_scoped3A_164 = arith.constant 2 : i32
      "tpu.region"() ({
        %run_scoped3A_221 = tpu.sem_alloc : memref<!tpu.dma_semaphore, #tpu.memory_space<semaphore_mem>>
        %dma_start3A_222 = arith.constant 0 : i32
        %dma_start3A_223 = arith.constant 0 : i32
        %dma_start3A_224 = tpu.memref_slice %arg11[%arg1, %run_scoped3A_164, %dma_start3A_222, %dma_start3A_223] : memref<16x4x200x128xf32, #tpu.memory_space<vmem_shared>> -> memref<1x1x200x128xf32, #tpu.memory_space<vmem_shared>>
        %dma_start3A_225 = tpu.memref_squeeze %dma_start3A_224 : memref<1x1x200x128xf32, #tpu.memory_space<vmem_shared>> -> memref<200x128xf32, #tpu.memory_space<vmem_shared>>
        %dma_start3A_226 = arith.constant 0 : i32
        %dma_start3A_227 = arith.constant 0 : i32
        %dma_start3A_228 = tpu.memref_slice %dma_start3A_225[%dma_start3A_226, %dma_start3A_227] : memref<200x128xf32, #tpu.memory_space<vmem_shared>> -> memref<200x128xf32, #tpu.memory_space<vmem_shared>>
        tpu.enqueue_indirect_dma source(%arg8 : memref<104x128xf32, #tpu.memory_space<vmem>>) target(%dma_start3A_228 : memref<200x128xf32, #tpu.memory_space<vmem_shared>>) offsets(%arg10 : memref<104xi32, #tpu.memory_space<vmem>>) semaphore(%run_scoped3A_221 : memref<!tpu.dma_semaphore, #tpu.memory_space<semaphore_mem>>) {add = true}
        %dma_wait3A_229 = arith.constant 0 : i32
        %dma_wait3A_230 = arith.constant 0 : i32
        %dma_wait3A_231 = tpu.memref_slice %arg11[%arg1, %run_scoped3A_164, %dma_wait3A_229, %dma_wait3A_230] : memref<16x4x200x128xf32, #tpu.memory_space<vmem_shared>> -> memref<1x1x200x128xf32, #tpu.memory_space<vmem_shared>>
        %dma_wait3A_232 = tpu.memref_squeeze %dma_wait3A_231 : memref<1x1x200x128xf32, #tpu.memory_space<vmem_shared>> -> memref<200x128xf32, #tpu.memory_space<vmem_shared>>
        %dma_wait3A_233 = arith.constant 0 : i32
        %dma_wait3A_234 = arith.constant 0 : i32
        %dma_wait3A_235 = tpu.memref_slice %dma_wait3A_232[%dma_wait3A_233, %dma_wait3A_234] : memref<200x128xf32, #tpu.memory_space<vmem_shared>> -> memref<200x128xf32, #tpu.memory_space<vmem_shared>>
        tpu.wait_indirect_dma semaphore(%run_scoped3A_221 : memref<!tpu.dma_semaphore, #tpu.memory_space<semaphore_mem>>) src(%arg8 : memref<104x128xf32, #tpu.memory_space<vmem>>) dst(%dma_wait3A_235 : memref<200x128xf32, #tpu.memory_space<vmem_shared>>)
        tpu.yield
      }) : () -> ()
      %mul3A_165 = arith.constant 32 : i32
      %mul3A_166 = arith.muli %add3A_136, %mul3A_165 : i32
      %add3A_167 = arith.addi %mul3A_166, %add3A : i32
      %mul3A_168 = arith.constant 200 : i32
      %mul3A_169 = arith.muli %add3A_167, %mul3A_168 : i32
      %dma_start3A_170 = arith.constant 2 : i32
      %dma_start3A_171 = arith.constant 0 : i32
      %dma_start3A_172 = tpu.memref_slice %arg6[%mul3A_169, %dma_start3A_171] : memref<819200x128xf32, #tpu.memory_space<hbm>> -> memref<200x128xf32, #tpu.memory_space<hbm>>
      %dma_start3A_173 = arith.constant 0 : i32
      %dma_start3A_174 = arith.constant 0 : i32
      %dma_start3A_175 = tpu.memref_slice %arg11[%arg1, %dma_start3A_170, %dma_start3A_173, %dma_start3A_174] : memref<16x4x200x128xf32, #tpu.memory_space<vmem_shared>> -> memref<1x1x200x128xf32, #tpu.memory_space<vmem_shared>>
      %dma_start3A_176 = tpu.memref_squeeze %dma_start3A_175 : memref<1x1x200x128xf32, #tpu.memory_space<vmem_shared>> -> memref<200x128xf32, #tpu.memory_space<vmem_shared>>
      tpu.enqueue_dma source(%dma_start3A_176 : memref<200x128xf32, #tpu.memory_space<vmem_shared>>) target(%dma_start3A_172 : memref<200x128xf32, #tpu.memory_space<hbm>>) target_semaphore(%arg18 : memref<!tpu.dma_semaphore, #tpu.memory_space<semaphore_mem>>)
      %mul3A_177 = arith.constant 4 : i32
      %mul3A_178 = arith.muli %scan3A_50, %mul3A_177 : i32
      %add3A_179 = arith.constant 3 : i32
      %add3A_180 = arith.addi %mul3A_178, %add3A_179 : i32
      %mul3A_181 = arith.constant 32 : i32
      %mul3A_182 = arith.muli %add3A_180, %mul3A_181 : i32
      %add3A_183 = arith.addi %mul3A_182, %add3A : i32
      %mul3A_184 = arith.constant 200 : i32
      %mul3A_185 = arith.muli %add3A_183, %mul3A_184 : i32
      %dma_wait3A_186 = arith.constant 3 : i32
      %dma_wait3A_187 = arith.constant 0 : i32
      %dma_wait3A_188 = arith.constant 0 : i32
      %dma_wait3A_189 = tpu.memref_slice %arg11[%arg1, %dma_wait3A_186, %dma_wait3A_187, %dma_wait3A_188] : memref<16x4x200x128xf32, #tpu.memory_space<vmem_shared>> -> memref<1x1x200x128xf32, #tpu.memory_space<vmem_shared>>
      %dma_wait3A_190 = tpu.memref_squeeze %dma_wait3A_189 : memref<1x1x200x128xf32, #tpu.memory_space<vmem_shared>> -> memref<200x128xf32, #tpu.memory_space<vmem_shared>>
      %dma_wait3A_191 = arith.constant 0 : i32
      %dma_wait3A_192 = tpu.memref_slice %arg2[%mul3A_185, %dma_wait3A_191] : memref<819200x128xf32, #tpu.memory_space<hbm>> -> memref<200x128xf32, #tpu.memory_space<hbm>>
      tpu.wait_dma2 semaphore(%arg15 : memref<!tpu.dma_semaphore, #tpu.memory_space<semaphore_mem>>) src(%dma_wait3A_192 : memref<200x128xf32, #tpu.memory_space<hbm>>) dst(%dma_wait3A_190 : memref<200x128xf32, #tpu.memory_space<vmem_shared>>)
      %sub3A_193 = arith.constant 2 : i32
      %sub3A_194 = arith.subi %add3A_180, %sub3A_193 : i32
      %ge3A_195 = arith.constant 0 : i32
      %ge3A_196 = arith.cmpi sge, %sub3A_194, %ge3A_195 : i32
      %convert_element_type3A_197 = arith.extui %ge3A_196 : i1 to i32
      %cond3A_198 = arith.constant 0 : i32
      %cond3A_199 = arith.cmpi ne, %convert_element_type3A_197, %cond3A_198 : i32
      scf.if %cond3A_199 {
        %sub3A_221 = arith.constant 2 : i32
        %sub3A_222 = arith.subi %add3A_180, %sub3A_221 : i32
        %mul3A_223 = arith.constant 32 : i32
        %mul3A_224 = arith.muli %sub3A_222, %mul3A_223 : i32
        %add3A_225 = arith.addi %mul3A_224, %add3A : i32
        %mul3A_226 = arith.constant 200 : i32
        %mul3A_227 = arith.muli %add3A_225, %mul3A_226 : i32
        %dma_wait3A_228 = arith.constant 1 : i32
        %dma_wait3A_229 = arith.constant 0 : i32
        %dma_wait3A_230 = tpu.memref_slice %arg6[%mul3A_227, %dma_wait3A_229] : memref<819200x128xf32, #tpu.memory_space<hbm>> -> memref<200x128xf32, #tpu.memory_space<hbm>>
        %dma_wait3A_231 = arith.constant 0 : i32
        %dma_wait3A_232 = arith.constant 0 : i32
        %dma_wait3A_233 = tpu.memref_slice %arg11[%arg1, %dma_wait3A_228, %dma_wait3A_231, %dma_wait3A_232] : memref<16x4x200x128xf32, #tpu.memory_space<vmem_shared>> -> memref<1x1x200x128xf32, #tpu.memory_space<vmem_shared>>
        %dma_wait3A_234 = tpu.memref_squeeze %dma_wait3A_233 : memref<1x1x200x128xf32, #tpu.memory_space<vmem_shared>> -> memref<200x128xf32, #tpu.memory_space<vmem_shared>>
        tpu.wait_dma2 semaphore(%arg17 : memref<!tpu.dma_semaphore, #tpu.memory_space<semaphore_mem>>) src(%dma_wait3A_234 : memref<200x128xf32, #tpu.memory_space<vmem_shared>>) dst(%dma_wait3A_230 : memref<200x128xf32, #tpu.memory_space<hbm>>)
      } else {
      }
      %add3A_200 = arith.constant 2 : i32
      %add3A_201 = arith.addi %add3A_180, %add3A_200 : i32
      %lt3A_202 = arith.constant 128 : i32
      %lt3A_203 = arith.cmpi slt, %add3A_201, %lt3A_202 : i32
      %convert_element_type3A_204 = arith.extui %lt3A_203 : i1 to i32
      %cond3A_205 = arith.constant 0 : i32
      %cond3A_206 = arith.cmpi ne, %convert_element_type3A_204, %cond3A_205 : i32
      scf.if %cond3A_206 {
        %add3A_221 = arith.constant 2 : i32
        %add3A_222 = arith.addi %add3A_180, %add3A_221 : i32
        %mul3A_223 = arith.constant 32 : i32
        %mul3A_224 = arith.muli %add3A_222, %mul3A_223 : i32
        %add3A_225 = arith.addi %mul3A_224, %add3A : i32
        %mul3A_226 = arith.constant 200 : i32
        %mul3A_227 = arith.muli %add3A_225, %mul3A_226 : i32
        %dma_start3A_228 = arith.constant 1 : i32
        %dma_start3A_229 = arith.constant 0 : i32
        %dma_start3A_230 = arith.constant 0 : i32
        %dma_start3A_231 = tpu.memref_slice %arg11[%arg1, %dma_start3A_228, %dma_start3A_229, %dma_start3A_230] : memref<16x4x200x128xf32, #tpu.memory_space<vmem_shared>> -> memref<1x1x200x128xf32, #tpu.memory_space<vmem_shared>>
        %dma_start3A_232 = tpu.memref_squeeze %dma_start3A_231 : memref<1x1x200x128xf32, #tpu.memory_space<vmem_shared>> -> memref<200x128xf32, #tpu.memory_space<vmem_shared>>
        %dma_start3A_233 = arith.constant 0 : i32
        %dma_start3A_234 = tpu.memref_slice %arg2[%mul3A_227, %dma_start3A_233] : memref<819200x128xf32, #tpu.memory_space<hbm>> -> memref<200x128xf32, #tpu.memory_space<hbm>>
        tpu.enqueue_dma source(%dma_start3A_234 : memref<200x128xf32, #tpu.memory_space<hbm>>) target(%dma_start3A_232 : memref<200x128xf32, #tpu.memory_space<vmem_shared>>) target_semaphore(%arg13 : memref<!tpu.dma_semaphore, #tpu.memory_space<semaphore_mem>>)
      } else {
      }
      %run_scoped3A_207 = arith.constant 3 : i32
      "tpu.region"() ({
        %run_scoped3A_221 = tpu.sem_alloc : memref<!tpu.dma_semaphore, #tpu.memory_space<semaphore_mem>>
        %dma_start3A_222 = arith.constant 0 : i32
        %dma_start3A_223 = arith.constant 0 : i32
        %dma_start3A_224 = tpu.memref_slice %arg11[%arg1, %run_scoped3A_207, %dma_start3A_222, %dma_start3A_223] : memref<16x4x200x128xf32, #tpu.memory_space<vmem_shared>> -> memref<1x1x200x128xf32, #tpu.memory_space<vmem_shared>>
        %dma_start3A_225 = tpu.memref_squeeze %dma_start3A_224 : memref<1x1x200x128xf32, #tpu.memory_space<vmem_shared>> -> memref<200x128xf32, #tpu.memory_space<vmem_shared>>
        %dma_start3A_226 = arith.constant 0 : i32
        %dma_start3A_227 = arith.constant 0 : i32
        %dma_start3A_228 = tpu.memref_slice %dma_start3A_225[%dma_start3A_226, %dma_start3A_227] : memref<200x128xf32, #tpu.memory_space<vmem_shared>> -> memref<200x128xf32, #tpu.memory_space<vmem_shared>>
        tpu.enqueue_indirect_dma source(%arg7 : memref<96x128xf32, #tpu.memory_space<vmem>>) target(%dma_start3A_228 : memref<200x128xf32, #tpu.memory_space<vmem_shared>>) offsets(%arg9 : memref<96xi32, #tpu.memory_space<vmem>>) semaphore(%run_scoped3A_221 : memref<!tpu.dma_semaphore, #tpu.memory_space<semaphore_mem>>) {add = true}
        %dma_wait3A_229 = arith.constant 0 : i32
        %dma_wait3A_230 = arith.constant 0 : i32
        %dma_wait3A_231 = tpu.memref_slice %arg11[%arg1, %run_scoped3A_207, %dma_wait3A_229, %dma_wait3A_230] : memref<16x4x200x128xf32, #tpu.memory_space<vmem_shared>> -> memref<1x1x200x128xf32, #tpu.memory_space<vmem_shared>>
        %dma_wait3A_232 = tpu.memref_squeeze %dma_wait3A_231 : memref<1x1x200x128xf32, #tpu.memory_space<vmem_shared>> -> memref<200x128xf32, #tpu.memory_space<vmem_shared>>
        %dma_wait3A_233 = arith.constant 0 : i32
        %dma_wait3A_234 = arith.constant 0 : i32
        %dma_wait3A_235 = tpu.memref_slice %dma_wait3A_232[%dma_wait3A_233, %dma_wait3A_234] : memref<200x128xf32, #tpu.memory_space<vmem_shared>> -> memref<200x128xf32, #tpu.memory_space<vmem_shared>>
        tpu.wait_indirect_dma semaphore(%run_scoped3A_221 : memref<!tpu.dma_semaphore, #tpu.memory_space<semaphore_mem>>) src(%arg7 : memref<96x128xf32, #tpu.memory_space<vmem>>) dst(%dma_wait3A_235 : memref<200x128xf32, #tpu.memory_space<vmem_shared>>)
        tpu.yield
      }) : () -> ()
      %run_scoped3A_208 = arith.constant 3 : i32
      "tpu.region"() ({
        %run_scoped3A_221 = tpu.sem_alloc : memref<!tpu.dma_semaphore, #tpu.memory_space<semaphore_mem>>
        %dma_start3A_222 = arith.constant 0 : i32
        %dma_start3A_223 = arith.constant 0 : i32
        %dma_start3A_224 = tpu.memref_slice %arg11[%arg1, %run_scoped3A_208, %dma_start3A_222, %dma_start3A_223] : memref<16x4x200x128xf32, #tpu.memory_space<vmem_shared>> -> memref<1x1x200x128xf32, #tpu.memory_space<vmem_shared>>
        %dma_start3A_225 = tpu.memref_squeeze %dma_start3A_224 : memref<1x1x200x128xf32, #tpu.memory_space<vmem_shared>> -> memref<200x128xf32, #tpu.memory_space<vmem_shared>>
        %dma_start3A_226 = arith.constant 0 : i32
        %dma_start3A_227 = arith.constant 0 : i32
        %dma_start3A_228 = tpu.memref_slice %dma_start3A_225[%dma_start3A_226, %dma_start3A_227] : memref<200x128xf32, #tpu.memory_space<vmem_shared>> -> memref<200x128xf32, #tpu.memory_space<vmem_shared>>
        tpu.enqueue_indirect_dma source(%arg8 : memref<104x128xf32, #tpu.memory_space<vmem>>) target(%dma_start3A_228 : memref<200x128xf32, #tpu.memory_space<vmem_shared>>) offsets(%arg10 : memref<104xi32, #tpu.memory_space<vmem>>) semaphore(%run_scoped3A_221 : memref<!tpu.dma_semaphore, #tpu.memory_space<semaphore_mem>>) {add = true}
        %dma_wait3A_229 = arith.constant 0 : i32
        %dma_wait3A_230 = arith.constant 0 : i32
        %dma_wait3A_231 = tpu.memref_slice %arg11[%arg1, %run_scoped3A_208, %dma_wait3A_229, %dma_wait3A_230] : memref<16x4x200x128xf32, #tpu.memory_space<vmem_shared>> -> memref<1x1x200x128xf32, #tpu.memory_space<vmem_shared>>
        %dma_wait3A_232 = tpu.memref_squeeze %dma_wait3A_231 : memref<1x1x200x128xf32, #tpu.memory_space<vmem_shared>> -> memref<200x128xf32, #tpu.memory_space<vmem_shared>>
        %dma_wait3A_233 = arith.constant 0 : i32
        %dma_wait3A_234 = arith.constant 0 : i32
        %dma_wait3A_235 = tpu.memref_slice %dma_wait3A_232[%dma_wait3A_233, %dma_wait3A_234] : memref<200x128xf32, #tpu.memory_space<vmem_shared>> -> memref<200x128xf32, #tpu.memory_space<vmem_shared>>
        tpu.wait_indirect_dma semaphore(%run_scoped3A_221 : memref<!tpu.dma_semaphore, #tpu.memory_space<semaphore_mem>>) src(%arg8 : memref<104x128xf32, #tpu.memory_space<vmem>>) dst(%dma_wait3A_235 : memref<200x128xf32, #tpu.memory_space<vmem_shared>>)
        tpu.yield
      }) : () -> ()
      %mul3A_209 = arith.constant 32 : i32
      %mul3A_210 = arith.muli %add3A_180, %mul3A_209 : i32
      %add3A_211 = arith.addi %mul3A_210, %add3A : i32
      %mul3A_212 = arith.constant 200 : i32
      %mul3A_213 = arith.muli %add3A_211, %mul3A_212 : i32
      %dma_start3A_214 = arith.constant 3 : i32
      %dma_start3A_215 = arith.constant 0 : i32
      %dma_start3A_216 = tpu.memref_slice %arg6[%mul3A_213, %dma_start3A_215] : memref<819200x128xf32, #tpu.memory_space<hbm>> -> memref<200x128xf32, #tpu.memory_space<hbm>>
      %dma_start3A_217 = arith.constant 0 : i32
      %dma_start3A_218 = arith.constant 0 : i32
      %dma_start3A_219 = tpu.memref_slice %arg11[%arg1, %dma_start3A_214, %dma_start3A_217, %dma_start3A_218] : memref<16x4x200x128xf32, #tpu.memory_space<vmem_shared>> -> memref<1x1x200x128xf32, #tpu.memory_space<vmem_shared>>
      %dma_start3A_220 = tpu.memref_squeeze %dma_start3A_219 : memref<1x1x200x128xf32, #tpu.memory_space<vmem_shared>> -> memref<200x128xf32, #tpu.memory_space<vmem_shared>>
      tpu.enqueue_dma source(%dma_start3A_220 : memref<200x128xf32, #tpu.memory_space<vmem_shared>>) target(%dma_start3A_216 : memref<200x128xf32, #tpu.memory_space<hbm>>) target_semaphore(%arg19 : memref<!tpu.dma_semaphore, #tpu.memory_space<semaphore_mem>>)
    }
    %scan3A_28 = arith.constant 32 : i32
    %add3A_29 = arith.constant 4032 : i32
    %add3A_30 = arith.addi %add3A_29, %add3A : i32
    %mul3A_31 = arith.constant 200 : i32
    %mul3A_32 = arith.muli %add3A_30, %mul3A_31 : i32
    %dma_wait3A = arith.constant 2 : i32
    %dma_wait3A_33 = arith.constant 0 : i32
    %dma_wait3A_34 = tpu.memref_slice %arg6[%mul3A_32, %dma_wait3A_33] : memref<819200x128xf32, #tpu.memory_space<hbm>> -> memref<200x128xf32, #tpu.memory_space<hbm>>
    %dma_wait3A_35 = arith.constant 0 : i32
    %dma_wait3A_36 = arith.constant 0 : i32
    %dma_wait3A_37 = tpu.memref_slice %arg11[%arg1, %dma_wait3A, %dma_wait3A_35, %dma_wait3A_36] : memref<16x4x200x128xf32, #tpu.memory_space<vmem_shared>> -> memref<1x1x200x128xf32, #tpu.memory_space<vmem_shared>>
    %dma_wait3A_38 = tpu.memref_squeeze %dma_wait3A_37 : memref<1x1x200x128xf32, #tpu.memory_space<vmem_shared>> -> memref<200x128xf32, #tpu.memory_space<vmem_shared>>
    tpu.wait_dma2 semaphore(%arg18 : memref<!tpu.dma_semaphore, #tpu.memory_space<semaphore_mem>>) src(%dma_wait3A_38 : memref<200x128xf32, #tpu.memory_space<vmem_shared>>) dst(%dma_wait3A_34 : memref<200x128xf32, #tpu.memory_space<hbm>>)
    %add3A_39 = arith.constant 4064 : i32
    %add3A_40 = arith.addi %add3A_39, %add3A : i32
    %mul3A_41 = arith.constant 200 : i32
    %mul3A_42 = arith.muli %add3A_40, %mul3A_41 : i32
    %dma_wait3A_43 = arith.constant 3 : i32
    %dma_wait3A_44 = arith.constant 0 : i32
    %dma_wait3A_45 = tpu.memref_slice %arg6[%mul3A_42, %dma_wait3A_44] : memref<819200x128xf32, #tpu.memory_space<hbm>> -> memref<200x128xf32, #tpu.memory_space<hbm>>
    %dma_wait3A_46 = arith.constant 0 : i32
    %dma_wait3A_47 = arith.constant 0 : i32
    %dma_wait3A_48 = tpu.memref_slice %arg11[%arg1, %dma_wait3A_43, %dma_wait3A_46, %dma_wait3A_47] : memref<16x4x200x128xf32, #tpu.memory_space<vmem_shared>> -> memref<1x1x200x128xf32, #tpu.memory_space<vmem_shared>>
    %dma_wait3A_49 = tpu.memref_squeeze %dma_wait3A_48 : memref<1x1x200x128xf32, #tpu.memory_space<vmem_shared>> -> memref<200x128xf32, #tpu.memory_space<vmem_shared>>
    tpu.wait_dma2 semaphore(%arg19 : memref<!tpu.dma_semaphore, #tpu.memory_space<semaphore_mem>>) src(%dma_wait3A_49 : memref<200x128xf32, #tpu.memory_space<vmem_shared>>) dst(%dma_wait3A_45 : memref<200x128xf32, #tpu.memory_space<hbm>>)
    return
  }
}

</mosaic_0001>

<sc_bundles>
// kernel: _pe_sc.3.cloned.1.call-start
scs
__scs_entry_jumppad:
0x0: {  	(pc) =	sbr.rel $0x88, $3  }
0x1: {  	(tag) =	ssettag $0x0;
	lr =	simm.s32 $0x1  }
0x2: {  	[smem:$0x3F9D] =	sst lr;
	_ =	strace $0xD0000000  }
0x3: {  	_ = 	snop  }
0x4: {  	_ = 	snop  }
0x5: {  	_ = 	snop  }
0x6: {  	_ = 	snop  }
0x7: {  	_ = 	snop  }
__scs_overlays_trampoline_lowered:
0x8: {  	[smem:$0x3FAC] =	sst s0  }
0x9: {  	[smem:$0x3FAD] =	sst s1  }
0xa: {  	[smem:$0x3FAE] =	sst s2  }
0xb: {  	[smem:$0x3FAF] =	sst s3  }
0xc: {  	[smem:$0x3FB0] =	sst s4  }
0xd: {  	[smem:$0x3FB1] =	sst s5  }
0xe: {  	[smem:$0x3FB2] =	sst s6  }
0xf: {  	[smem:$0x3FB3] =	sst s7  }
0x10: {  	[smem:$0x3FB4] =	sst s8  }
0x11: {  	[smem:$0x3FB5] =	sst s9;
	s0 =	simm.s32 @!p0 $0x0  }
0x12: {  	s1 =	sld [smem:$0x3F9B];
	s0 =	simm.s32 @p0 $0x1  }
0x13: {  	[smem:$0x3FB6] =	sst s0;
	s0 =	simm.s32 @!p1 $0x0  }
0x14: {  	s2 =	sld [smem:$0x3F9A];
	s0 =	simm.s32 @p1 $0x1  }
0x15: {  	[smem:$0x3FB7] =	sst s0;
	s0 =	simm.s32 @!p2 $0x0  }
0x16: {  	s3 =	sld [smem:$0x3FDB];
	s0 =	simm.s32 @p2 $0x1  }
0x17: {  	s4 =	simm.s32 $0x1BF5;
	[smem:$0x3FB9] =	sst s0  }
0x18: {  	s0 =	sld [smem:$0x3F9C];
	_ =	swait.ge [sflag:s4], $0x0  }
0x19: {  	s7 =	sld [smem:$0x3F9D]  }
0x1a: {  	s8 =	sadd.s32 $0xFFFFE003, lr  }
0x1b: {  	s9 =	sadd.s32 $0xFFFFFEF7, lr;
	s5 =	simm.s32 $0xFFFFFFFF;
	p2 =	slt.u32 s8, $0xFFFFF086  }
0x1c: {  	p1 =	slt.u32 s9, $0xF7A;
	s5 =	simm.s32 @!p2 $0x0  }
0x1d: {  	s5 =	simm.s32 @p1 $0x1;
	p0 =	seq.s32 s7, s2  }
0x1e: {  	s7 =	smul.u32 @!p0 $0xF7A, s2;
	p2 =	seq.s32 @!p0 s5, $0x0  }
0x1f: {  	s9 =	smul.u32 $0xF7A, s1;
	s8 =	simm.s32 @!p0 $0x1BF5;
	p2 =	por !p2, p0  }
0x20: {  	[sflag:s8] =	ssyncset.s32 @!p0 $0xFFFFF086;
	s6 =	sadd.s32 @!p0 s3, s7;
	s7 =	simm.s32 @!p0 $0x108  }
0x21: {  	s3 =	sadd.s32 s3, s9;
	s6 =	sadd.s32 @!p0 $0x88, s6;
	s7 =	simm.s32 @p2 $0x1082  }
0x22: {  	[simem:s7], [sflag:s8] =	dma.local @!p0 [hbm:s6], $0xF7A  }
0x23: {  	s9 =	sor.u32 $0xD0000000, s2;
	s6 =	simm.s32 $0x108;
	_ =	swait.ge @!p0 [sflag:s8], $0x0  }
0x24: {  	s3 =	sadd.s32 $0x88, s3;
	s6 =	simm.s32 @!p1 $0x1082;
	[sflag:s4] =	ssyncset.s32 $0xFFFFF086  }
0x25: {  	[simem:s6], [sflag:s4] =	dma.local [hbm:s3], $0xF7A  }
0x26: {  	[smem:$0x3F9D] =	sst s1;
	(tag) =	ssettag s2;
	_ =	strace s9  }
0x27: {  	s1 =	sld [smem:$0x3FAD]  }
0x28: {  	s2 =	sld [smem:$0x3FAE]  }
0x29: {  	s4 =	sld [smem:$0x3FB0]  }
0x2a: {  	p0 =	seq.s32 s5, $0x0;
	s5 =	sld [smem:$0x3FB1]  }
0x2b: {  	s6 =	sld [smem:$0x3FB2]  }
0x2c: {  	s7 =	sld [smem:$0x3FB3]  }
0x2d: {  	s3 =	simm.s32 $0x108;
	s8 =	sld [smem:$0x3FB4]  }
0x2e: {  	s3 =	simm.s32 @!p0 $0x1082;
	s9 =	sld [smem:$0x3FB5]  }
0x2f: {  	lr =	sadd.s32 s0, s3;
	s0 =	sld [smem:$0x3FAC]  }
0x30: {  	s3 =	sld [smem:$0x3FAF]  }
0x31: {  	[smem:$0x3FB8] =	sst s10  }
0x32: {  	s10 =	sld [smem:$0x3FB6];
	_ =	sdelay $0x3  }
0x33: {  	p0 =	seq.s32 s10, $0x1;
	s10 =	sld [smem:$0x3FB8];
	_ =	sdelay $0x3  }
0x34: {  	[smem:$0x3FB8] =	sst s10  }
0x35: {  	s10 =	sld [smem:$0x3FB7];
	_ =	sdelay $0x3  }
0x36: {  	p1 =	seq.s32 s10, $0x1;
	s10 =	sld [smem:$0x3FB8];
	_ =	sdelay $0x3  }
0x37: {  	[smem:$0x3FB8] =	sst s10  }
0x38: {  	s10 =	sld [smem:$0x3FB9]  }
0x39: {  	_ = 	snop;
	(pc) =	sbr.ind lr, $3  }
0x3a: {  	_ = 	snop  }
0x3b: {  	_ = 	snop  }
0x3c: {  	p2 =	seq.s32 s10, $0x1;
	s10 =	sld [smem:$0x3FB8]  }
0x3d: {  	_ =	shalt  }
0x3e: {  	_ =	shalt  }
0x3f: {  	_ =	shalt  }
0x40: {  	_ =	shalt  }
0x41: {  	_ =	shalt  }
0x42: {  	_ =	shalt  }
0x43: {  	_ =	shalt  }
0x44: {  	_ =	shalt  }
0x45: {  	_ =	shalt  }
0x46: {  	_ =	shalt  }
0x47: {  	_ =	shalt  }
0x48: {  	_ =	shalt  }
0x49: {  	_ =	shalt  }
0x4a: {  	_ =	shalt  }
0x4b: {  	_ =	shalt  }
0x4c: {  	_ =	shalt  }
0x4d: {  	_ =	shalt  }
0x4e: {  	_ =	shalt  }
0x4f: {  	_ =	shalt  }
0x50: {  	_ =	shalt  }
0x51: {  	_ =	shalt  }
0x52: {  	_ =	shalt  }
0x53: {  	_ =	shalt  }
0x54: {  	_ =	shalt  }
0x55: {  	_ =	shalt  }
0x56: {  	_ =	shalt  }
0x57: {  	_ =	shalt  }
0x58: {  	_ =	shalt  }
0x59: {  	_ =	shalt  }
0x5a: {  	_ =	shalt  }
0x5b: {  	_ =	shalt  }
0x5c: {  	_ =	shalt  }
0x5d: {  	_ =	shalt  }
0x5e: {  	_ =	shalt  }
0x5f: {  	_ =	shalt  }
0x60: {  	_ =	shalt  }
0x61: {  	_ =	shalt  }
0x62: {  	_ =	shalt  }
0x63: {  	_ =	shalt  }
0x64: {  	_ =	shalt  }
0x65: {  	_ =	shalt  }
0x66: {  	_ =	shalt  }
0x67: {  	_ =	shalt  }
0x68: {  	_ =	shalt  }
0x69: {  	_ =	shalt  }
0x6a: {  	_ =	shalt  }
0x6b: {  	_ =	shalt  }
0x6c: {  	_ =	shalt  }
0x6d: {  	_ =	shalt  }
0x6e: {  	_ =	shalt  }
0x6f: {  	_ =	shalt  }
0x70: {  	_ =	shalt  }
0x71: {  	_ =	shalt  }
0x72: {  	_ =	shalt  }
0x73: {  	_ =	shalt  }
0x74: {  	_ =	shalt  }
0x75: {  	_ =	shalt  }
0x76: {  	_ =	shalt  }
0x77: {  	_ =	shalt  }
0x78: {  	_ =	shalt  }
0x79: {  	_ =	shalt  }
0x7a: {  	_ =	shalt  }
0x7b: {  	_ =	shalt  }
0x7c: {  	_ =	shalt  }
0x7d: {  	_ =	shalt  }
0x7e: {  	_ =	shalt  }
0x7f: {  	_ =	shalt  }
0x80: {  	_ =	shalt  }
0x81: {  	_ =	shalt  }
0x82: {  	_ =	shalt  }
0x83: {  	_ =	shalt  }
0x84: {  	_ =	shalt  }
0x85: {  	_ =	shalt  }
0x86: {  	_ =	shalt  }
0x87: {  	_ =	shalt  }
.Lfunc_end0:
.L_simem_size_0:
called_computation_lowered:
.L_overlay_start_0:
0x88: {  	s2 =	sld [smem:$0x3FD9]  }
0x89: {  	s3 =	sld [smem:$0x3FFE];
	_ =	sdelay $0x1  }
0x8a: {  	s1 =	srdreg.scid  }
0x8b: {  	s0 =	sand.u32 $0x1, s1  }
0x8c: {  	s18 =	sshll.u32 s0, $0xA;
	s2 =	sadd.s32 s3, s2  }
0x8d: {  	s2 =	sadd.s32 s2, s18  }
0x8e: {  	[smem:$0x3FC4] =	sst s2  }
0x8f: {  	_ = 	snop  }
0x90: {  	s2 =	sld [smem:$0x3FC9]  }
0x91: {  	s19 =	sld [smem:$0x3FC8]  }
0x92: {  	s4 =	sld [smem:$0x3FC7]  }
0x93: {  	s5 =	sld [smem:$0x3FC6]  }
0x94: {  	s6 =	sld [smem:$0x3FD0];
	(tm) =	ssettm $0x1  }
0x95: {  	s7 =	sld [smem:$0x3FFB];
	_ =	sdelay $0x3  }
0x96: {  	_ =	strace s7  }
0x97: {  	s7 =	sld [smem:$0x3FFC];
	_ =	sdelay $0x3  }
0x98: {  	_ =	strace s7  }
0x99: {  	s7 =	sld [smem:$0x3FFD];
	_ =	sdelay $0x3  }
0x9a: {  	_ =	strace s7  }
0x9b: {  	_ =	strace $0x8FFFFFFF  }
0x9c: {  	s20 =	sld [smem:$0x3FDB];
	_ =	sdelay $0x1  }
0x9d: {  	s8 =	simm.s32 $_scs_section_size  }
0x9e: {  	s9 =	simm.s32 $_size__tile_overlayer_lowered;
	s10 =	simm.s32 $_tile_overlayer_lowered  }
0x9f: {  	s23 =	simm.s32 $0x1BFF;
	s22 =	sshll.u32 s10, $0x1;
	s7 =	sadd.s32 s8, s20  }
0xa0: {  	s11 =	simm.s32 $0x0;
	s21 =	sshll.u32 s9, $0x1;
	s9 =	sadd.s32 s22, s7  }
0xa1: {  	[timem:s11], [sflag:s23] =	dma.local [hbm:s9], s21  }
0xa2: {  	_ =	swait.ge [sflag:s23], s21  }
0xa3: {  	s8 =	ssub.s32 $0x0, s21;
	[sflag:s23] =	ssyncset.done $0x0  }
0xa4: {  	[sflag:s23] =	ssyncadd.s32 s8;
	_ =	sdelay $0x1  }
0xa5: {  	s24 =	simm.s32 $0x1B8B  }
0xa6: {  	_ =	swait.ge [sflag:s24], $0x1  }
0xa7: {  	[sflag:s24] =	ssyncset.done $0x0  }
0xa8: {  	s25 =	simm.s32 $0x1B8E;
	[sflag:s24] =	ssyncadd.s32 $0xFFFFFFFF  }
0xa9: {  	s26 =	simm.s32 $execute0_lowered;
	[smem:$0x3FD2] =	sst s25  }
0xaa: {  	s8 =	sshll.u32 s26, $0x1;
	_ =	strace $0x80000046;
	[dreg:$0x1] =	wrdreg $0xFFFFFFFF  }
0xab: {  	s28 =	simm.s32 $_size_execute0_lowered;
	s7 =	sadd.s32 s7, s8;
	[dreg:$0x0] =	wrdreg $0x0  }
0xac: {  	s8 =	sshll.u32 s28, $0x1;
	[dreg:$0x2] =	wrdreg s7  }
0xad: {  	[dreg:$0x3] =	wrdreg s8  }
0xae: {  	[dreg:$0x4] =	wrdreg $0xC0  }
0xaf: {  	_ =	task [dreg:s11], $0x5FFFF  }
0xb0: {  	[dreg:$0x1] =	wrdreg $0xFFFFFFFF  }
0xb1: {  	[dreg:$0x0] =	wrdreg $0x60  }
0xb2: {  	[dreg:$0x2] =	wrdreg s2  }
0xb3: {  	[dreg:$0x3] =	wrdreg s19  }
0xb4: {  	[dreg:$0x4] =	wrdreg s4  }
0xb5: {  	[dreg:$0x5] =	wrdreg s5  }
0xb6: {  	[dreg:$0x6] =	wrdreg s6  }
0xb7: {  	[dreg:$0x7] =	wrdreg $0x65000  }
0xb8: {  	[dreg:$0x8] =	wrdreg $0x9  }
0xb9: {  	_ =	task.clear_ibuf [dreg:s11], $0x9FFFF;
	_ =	strace $0x90000046  }
0xba: {  	s29 =	simm.s32 $0x9;
	_ =	strace $0x80000048  }
0xbb: {  	_ =	swait.ge [sflag:s29], $0x1  }
0xbc: {  	[sflag:s29] =	ssyncadd.s32 $0xFFFFFFFF  }
0xbd: {  	_ =	strace $0x90000048  }
0xbe: {  	_ =	sfence  }
0xbf: {  	s30 =	sld [smem:$0x0];
	_ =	sdelay $0x2  }
0xc0: {  	s31 =	sshll.u32 s1, $0xD;
	s1 =	sshrl.u32 s1, $0x2  }
0xc1: {  	s3 =	sand.u32 $0x4000, s31;
	s1 =	sadd.s32 s1, s30  }
0xc2: {  	s0 =	sor.u32 s3, s0;
	s1 =	sshll.u32 s1, $0x11  }
0xc3: {  	s0 =	sor.u32 s1, s0  }
0xc4: {  	s0 =	sadd.s32 $0x8F2B, s0  }
0xc5: {  	[sflag:s0] =	ssyncadd.remote.s32 $0x1  }
0xc6: {  	_ =	sfence.sel $0xFFFF  }
0xc7: {  	[dreg:$0x0] =	wrdreg $0xFFFFFFFF;
	(pc) =	sbr.abs _section_cstart, $3  }
0xc8: {  	[dreg:$0x1] =	wrdreg $0xFFFFFFFF  }
0xc9: {  	_ =	task.clear_ibuf [dreg:s11], $0x2FFFF;
	_ =	strace $0x9FFFFFFF  }
0xca: {  	(tm) =	ssettm $0x7FFFFFFF  }
0xcb: {  	_ =	shalt  }
tec
execute0_lowered:
.L_overlay_start_1:
0x0: {  	(tag) =	ssettag $0x1  }
0x1: {  	s0 =	rddreg [dreg:$0x0]  }
0x2: {  	s11 =	rddreg [dreg:$0x1]  }
0x3: {  	s1 =	rddreg [dreg:$0x4]  }
0x4: {  	s2 =	rddreg [dreg:$0x5]  }
0x5: {  	s3 =	srdreg.scid;
	s5 =	simm.s32 $0x0;
	s12 =	stileid.u32  }
0x6: {  	s28 =	simm.s32 $0x2;
	s29 =	simm.s32 $0x3;
	s30 =	simm.s32 $0x5  }
0x7: {  	s31 =	simm.s32 $0x4;
	s3 =	sand.u32 $0x1, s3;
	s6 =	smul.u32 $0x64000, s12  }
0x8: {  	[smem:$0x7FF] =	sst s5;
	s17 =	sshll.u32 s12, $0x6;
	s21 =	smul.u32 $0x6400, s12  }
0x9: {  	s23 =	sadd.s32 $0x600, s11;
	s24 =	smul.u32 $0xC80, s12;
	s4 =	sshll.u32 s3, $0x4  }
0xa: {  	_ =	strace $0x80000047;
	s7 =	ssub.s32 $0x2, s3;
	s20 =	smul.u32 $0x64000, s3  }
0xb: {  	s19 =	sor.u32 $0x1C01, s17;
	s22 =	smul.u32 $0xC800, s3;
	[dreg:$0x10] =	wrdreg s23  }
0xc: {  	[dreg:$0xe] =	wrdreg s17;
	s11 =	sor.u32 $0x1C02, s17;
	s4 =	sor.u32 s12, s4  }
0xd: {  	s23 =	simm.s32 $0x6480;
	s3 =	simm.s32 $0x0;
	s8 =	smul.u32 $0xC80, s4  }
0xe: {  	s9 =	sshrl.u32 s7, $0x1;
	s6 =	sshrl.u32 s6, $0x2;
	s4 =	smul.u32 $0x6400, s4  }
0xf: {  	s7 =	ssub.s32 s7, s9;
	s6 =	sadd.s32 s6, s2;
	s25 =	sadd.s32 s22, s1  }
0x10: {  	s10 =	sadd.s32 $0x6400, s6;
	s13 =	sadd.s32 $0xC800, s6;
	s14 =	sadd.s32 $0x12C00, s6  }
0x11: {  	s26 =	smax.u32 s7, $0x1;
	s7 =	sshrl.u32 s6, $0x3;
	s16 =	sadd.s32 s0, s8  }
0x12: {  	s18 =	sshrl.u32 s4, $0x3;
	s4 =	sadd.s32 s21, s20;
	s8 =	sadd.s32 s24, s25  }
0x13: {  	[dreg:$0x11] =	wrdreg s26;
	s20 =	simm.s32 $0x9;
	s21 =	simm.s32 $0x3000  }
0x14: {  	s25 =	simm.s32 $0x60;
	s26 =	simm.s32 $0x68;
	[dreg:$0xd] =	wrdreg s16  }
0x15: {  	s2 =	sadd.s32 s0, s18;
	s4 =	sadd.s32 $0xC8000, s4;
	s0 =	sadd.s32 s22, s0  }
0x16: {  	[dreg:$0x7] =	wrdreg s8;
	s8 =	sshrl.u32 s10, $0x3;
	s22 =	simm.s32 $0x6400  }
0x17: {  	s2 =	sadd.s32 $0x19000, s2;
	s4 =	sshrl.u32 s4, $0x3;
	[dreg:$0xc] =	wrdreg s8  }
0x18: {  	s16 =	sadd.s32 s24, s0;
	[dreg:$0xf] =	wrdreg s2;
	s1 =	sadd.s32 s4, s1  }
0x19: {  	s24 =	simm.s32 $0x1;
	s0 =	simm.s32 $0x6;
	[dreg:$0x8] =	wrdreg s1  }
.LBB2_1:
0x1a: {  	[dreg:$0x12] =	wrdreg s3  }
0x1b: {  	s1 =	rddreg [dreg:$0xd]  }
0x1c: {  	[spmem:s7], [sflag:s19] =	dma.local [hbm:s1], $0xC80  }
0x1d: {  	s1 =	rddreg [dreg:$0xf]  }
0x1e: {  	[spmem:s8], [sflag:s11] =	dma.local [hbm:s1], $0xC80  }
0x1f: {  	s1 =	rddreg [dreg:$0x1]  }
0x20: {  	[tilespmem:s5], [sflag:$0x9] =	stream.linear.gather [hbm4b:s1+s5], $0x3000, $0x38;
	[tilespmem:$0x1F500] =	vst v63  }
0x21: {  	_ =	swait.ge [sflag:s20], $0x3000  }
0x22: {  	[sflag:s20] =	ssyncset.done $0x0  }
0x23: {  	s2 =	rddreg [dreg:$0x10];
	[sflag:s20] =	ssyncadd.s32 $0xFFFFD000  }
0x24: {  	[tilespmem:s21], [sflag:$0x9] =	stream.linear.gather [hbm4b:s2+s5], $0x3400, $0x38;
	[tilespmem:$0x1F500] =	vst v63  }
0x25: {  	_ =	swait.ge [sflag:s20], $0x3400  }
0x26: {  	[sflag:s20] =	ssyncset.done $0x0  }
0x27: {  	[sflag:s20] =	ssyncadd.s32 $0xFFFFCC00  }
0x28: {  	s3 =	rddreg [dreg:$0x2]  }
0x29: {  	[tilespmem:s22], [sflag:$0x9] =	stream.linear.gather [hbm4b:s3+s5], $0x80, $0x38;
	[tilespmem:$0x1F500] =	vst v63  }
0x2a: {  	_ =	swait.ge [sflag:s20], $0x80  }
0x2b: {  	[sflag:s20] =	ssyncset.done $0x0  }
0x2c: {  	[sflag:s20] =	ssyncadd.s32 $0xFFFFFF80  }
0x2d: {  	s4 =	rddreg [dreg:$0x3]  }
0x2e: {  	[tilespmem:s23], [sflag:$0x9] =	stream.linear.gather [hbm4b:s4+s5], $0x80, $0x38;
	[tilespmem:$0x1F500] =	vst v63  }
0x2f: {  	_ =	swait.ge [sflag:s20], $0x80  }
0x30: {  	[sflag:s20] =	ssyncset.done $0x0  }
0x31: {  	[sflag:s20] =	ssyncadd.s32 $0xFFFFFF80  }
0x32: {  	_ =	swait.ge [sflag:s24], $0xC80  }
0x33: {  	p0 =	por $0x1, $0x1;
	[sflag:s24] =	ssyncset.done $0x0  }
0x34: {  	s2 =	simm.s32 @!p0 $0x7;
	[sflag:s24] =	ssyncadd.s32 $0xFFFFF380  }
0x35: {  	_ =	swait.ge @!p0 [sflag:s2], $0xC80  }
0x36: {  	s1 =	sshrl.u32 s13, $0x3;
	s17 =	rddreg [dreg:$0xe]  }
0x37: {  	s4 =	sadd.s32 $0x0, s16;
	[sflag:s2] =	ssyncset.done @!p0 $0x0;
	s12 =	sor.u32 $0x1C03, s17  }
0x38: {  	s9 =	sadd.s32 $0x32000, s4;
	[sflag:s2] =	ssyncadd.s32 @!p0 $0xFFFFF380;
	[dreg:$0x9] =	wrdreg s12  }
0x39: {  	[spmem:s1], [sflag:s12] =	dma.local [hbm:s9], $0xC80  }
0x3a: {  	[spmem:s6] =	stream.indirect.scatter.add.f32 [tilespmem:s5], [sflag:$0x9], $0x80, s22, s25, $0xb8;
	[tilespmem:$0x1F500] =	vst v63  }
0x3b: {  	_ =	swait.ge [sflag:s20], $0x3000  }
0x3c: {  	[sflag:s20] =	ssyncset.done $0x0  }
0x3d: {  	[sflag:s20] =	ssyncadd.s32 $0xFFFFD000  }
0x3e: {  	[spmem:s6] =	stream.indirect.scatter.add.f32 [tilespmem:s21], [sflag:$0x9], $0x80, s23, s26, $0xb8;
	[tilespmem:$0x1F500] =	vst v63  }
0x3f: {  	_ =	swait.ge [sflag:s20], $0x3400  }
0x40: {  	s18 =	sor.u32 $0x1C05, s17;
	s15 =	rddreg [dreg:$0x7];
	[sflag:s20] =	ssyncset.done $0x0  }
0x41: {  	[dreg:$0xa] =	wrdreg s18;
	[sflag:s20] =	ssyncadd.s32 $0xFFFFCC00;
	s3 =	sadd.s32 $0x0, s15  }
0x42: {  	[hbm:s3], [sflag:s18] =	dma.local [spmem:s7], $0xC80  }
0x43: {  	_ =	swait.ge [sflag:s28], $0xC80  }
0x44: {  	[sflag:s28] =	ssyncset.done $0x0  }
0x45: {  	s2 =	simm.s32 @!p0 $0x8;
	[sflag:s28] =	ssyncadd.s32 $0xFFFFF380  }
0x46: {  	_ =	swait.ge @!p0 [sflag:s2], $0xC80  }
0x47: {  	s4 =	sadd.s32 $0x4B000, s4;
	s9 =	sor.u32 $0x1C04, s17;
	[sflag:s2] =	ssyncset.done @!p0 $0x0  }
0x48: {  	s12 =	sshrl.u32 s14, $0x3;
	[dreg:$0xb] =	wrdreg s9;
	[sflag:s2] =	ssyncadd.s32 @!p0 $0xFFFFF380  }
0x49: {  	[spmem:s12], [sflag:s9] =	dma.local [hbm:s4], $0xC80  }
0x4a: {  	[spmem:s10] =	stream.indirect.scatter.add.f32 [tilespmem:s5], [sflag:$0x9], $0x80, s22, s25, $0xb8;
	[tilespmem:$0x1F500] =	vst v63  }
0x4b: {  	_ =	swait.ge [sflag:s20], $0x3000  }
0x4c: {  	[sflag:s20] =	ssyncset.done $0x0  }
0x4d: {  	[sflag:s20] =	ssyncadd.s32 $0xFFFFD000  }
0x4e: {  	[spmem:s10] =	stream.indirect.scatter.add.f32 [tilespmem:s21], [sflag:$0x9], $0x80, s23, s26, $0xb8;
	[tilespmem:$0x1F500] =	vst v63  }
0x4f: {  	_ =	swait.ge [sflag:s20], $0x3400  }
0x50: {  	s15 =	rddreg [dreg:$0x8];
	[sflag:s20] =	ssyncset.done $0x0  }
0x51: {  	s9 =	sor.u32 $0x1C06, s17;
	[sflag:s20] =	ssyncadd.s32 $0xFFFFCC00;
	s2 =	sadd.s32 $0x0, s15  }
0x52: {  	[hbm:s2], [sflag:s9] =	dma.local [spmem:s8], $0xC80  }
0x53: {  	_ =	swait.ge [sflag:s29], $0xC80  }
0x54: {  	[sflag:s29] =	ssyncset.done $0x0  }
0x55: {  	[sflag:s29] =	ssyncadd.s32 $0xFFFFF380  }
0x56: {  	p0 =	por $0x0, $0x0;
	_ =	swait.ge [sflag:s30], $0xC80  }
0x57: {  	s4 =	smov.u32 s9;
	s8 =	sadd.s32 @!p0 $0x0, s16;
	[sflag:s30] =	ssyncset.done $0x0  }
0x58: {  	s9 =	sshrl.u32 @!p0 s6, $0x3;
	s2 =	sadd.s32 @!p0 $0x64000, s8;
	[sflag:s30] =	ssyncadd.s32 $0xFFFFF380  }
0x59: {  	[spmem:s9], [sflag:s19] =	dma.local @!p0 [hbm:s2], $0xC80  }
0x5a: {  	[spmem:s13] =	stream.indirect.scatter.add.f32 [tilespmem:s5], [sflag:$0x9], $0x80, s22, s25, $0xb8;
	[tilespmem:$0x1F500] =	vst v63  }
0x5b: {  	_ =	swait.ge [sflag:s20], $0x3000  }
0x5c: {  	[sflag:s20] =	ssyncset.done $0x0  }
0x5d: {  	[sflag:s20] =	ssyncadd.s32 $0xFFFFD000  }
0x5e: {  	[spmem:s13] =	stream.indirect.scatter.add.f32 [tilespmem:s21], [sflag:$0x9], $0x80, s23, s26, $0xb8;
	[tilespmem:$0x1F500] =	vst v63  }
0x5f: {  	_ =	swait.ge [sflag:s20], $0x3400  }
0x60: {  	[sflag:s20] =	ssyncset.done $0x0  }
0x61: {  	s18 =	sadd.s32 $0x32000, s3;
	s2 =	sor.u32 $0x1C07, s17;
	[sflag:s20] =	ssyncadd.s32 $0xFFFFCC00  }
0x62: {  	[hbm:s18], [sflag:s2] =	dma.local [spmem:s1], $0xC80  }
0x63: {  	_ =	swait.ge [sflag:s31], $0xC80  }
0x64: {  	[sflag:s31] =	ssyncset.done $0x0  }
0x65: {  	[sflag:s31] =	ssyncadd.s32 $0xFFFFF380  }
0x66: {  	_ =	swait.ge [sflag:s0], $0xC80  }
0x67: {  	[sflag:s0] =	ssyncset.done $0x0  }
0x68: {  	s8 =	sadd.s32 @!p0 $0x7D000, s8;
	s9 =	sshrl.u32 @!p0 s10, $0x3;
	[sflag:s0] =	ssyncadd.s32 $0xFFFFF380  }
0x69: {  	[spmem:s9], [sflag:s11] =	dma.local @!p0 [hbm:s8], $0xC80  }
0x6a: {  	[spmem:s14] =	stream.indirect.scatter.add.f32 [tilespmem:s5], [sflag:$0x9], $0x80, s22, s25, $0xb8;
	[tilespmem:$0x1F500] =	vst v63  }
0x6b: {  	_ =	swait.ge [sflag:s20], $0x3000  }
0x6c: {  	[sflag:s20] =	ssyncset.done $0x0  }
0x6d: {  	[sflag:s20] =	ssyncadd.s32 $0xFFFFD000  }
0x6e: {  	[spmem:s14] =	stream.indirect.scatter.add.f32 [tilespmem:s21], [sflag:$0x9], $0x80, s23, s26, $0xb8;
	[tilespmem:$0x1F500] =	vst v63  }
0x6f: {  	_ =	swait.ge [sflag:s20], $0x3400  }
0x70: {  	s8 =	simm.s32 $0x64000;
	[sflag:s20] =	ssyncset.done $0x0  }
0x71: {  	s9 =	sadd.s32 $0x4B000, s3;
	s3 =	sor.u32 $0x1C08, s17;
	[sflag:s20] =	ssyncadd.s32 $0xFFFFCC00  }
.LBB2_2:
0x72: {  	[hbm:s9], [sflag:s3] =	dma.local [spmem:s12], $0xC80  }
0x73: {  	s17 =	smov.u32 s8;
	_ =	swait.ge [sflag:s24], $0xC80  }
0x74: {  	p1 =	seq.s32 s17, $0x0;
	[sflag:s24] =	ssyncset.done $0x0  }
0x75: {  	s9 =	simm.s32 @!p1 $0x7;
	[sflag:s24] =	ssyncadd.s32 $0xFFFFF380  }
0x76: {  	_ =	swait.ge @!p1 [sflag:s9], $0xC80  }
0x77: {  	s18 =	sadd.s32 s17, s16;
	[sflag:s9] =	ssyncset.done @!p1 $0x0  }
0x78: {  	s15 =	rddreg [dreg:$0x9];
	[sflag:s9] =	ssyncadd.s32 @!p1 $0xFFFFF380;
	s9 =	sadd.s32 $0x32000, s18  }
0x79: {  	[spmem:s1], [sflag:s15] =	dma.local [hbm:s9], $0xC80  }
0x7a: {  	[spmem:s6] =	stream.indirect.scatter.add.f32 [tilespmem:s5], [sflag:$0x9], $0x80, s22, s25, $0xb8;
	[tilespmem:$0x1F500] =	vst v63  }
0x7b: {  	_ =	swait.ge [sflag:s20], $0x3000  }
0x7c: {  	[sflag:s20] =	ssyncset.done $0x0  }
0x7d: {  	[sflag:s20] =	ssyncadd.s32 $0xFFFFD000  }
0x7e: {  	[spmem:s6] =	stream.indirect.scatter.add.f32 [tilespmem:s21], [sflag:$0x9], $0x80, s23, s26, $0xb8;
	[tilespmem:$0x1F500] =	vst v63  }
0x7f: {  	_ =	swait.ge [sflag:s20], $0x3400  }
0x80: {  	[sflag:s20] =	ssyncset.done $0x0;
	s15 =	rddreg [dreg:$0x7]  }
0x81: {  	[sflag:s20] =	ssyncadd.s32 $0xFFFFCC00;
	s9 =	sadd.s32 s17, s15;
	s15 =	rddreg [dreg:$0xa]  }
0x82: {  	[hbm:s9], [sflag:s15] =	dma.local [spmem:s7], $0xC80  }
0x83: {  	_ =	swait.ge [sflag:s28], $0xC80  }
0x84: {  	s15 =	smov.u32 s11;
	s11 =	smov.u32 s7;
	[sflag:s28] =	ssyncset.done $0x0  }
0x85: {  	s7 =	smov.u32 s19;
	s19 =	simm.s32 @!p1 $0x8;
	[sflag:s28] =	ssyncadd.s32 $0xFFFFF380  }
0x86: {  	_ =	swait.ge @!p1 [sflag:s19], $0xC80  }
0x87: {  	[sflag:s19] =	ssyncset.done @!p1 $0x0  }
0x88: {  	s18 =	sadd.s32 $0x4B000, s18;
	[sflag:s19] =	ssyncadd.s32 @!p1 $0xFFFFF380;
	s19 =	rddreg [dreg:$0xb]  }
0x89: {  	[spmem:s12], [sflag:s19] =	dma.local [hbm:s18], $0xC80  }
0x8a: {  	[spmem:s10] =	stream.indirect.scatter.add.f32 [tilespmem:s5], [sflag:$0x9], $0x80, s22, s25, $0xb8;
	[tilespmem:$0x1F500] =	vst v63  }
0x8b: {  	_ =	swait.ge [sflag:s20], $0x3000  }
0x8c: {  	[sflag:s20] =	ssyncset.done $0x0  }
0x8d: {  	[sflag:s20] =	ssyncadd.s32 $0xFFFFD000  }
0x8e: {  	[spmem:s10] =	stream.indirect.scatter.add.f32 [tilespmem:s21], [sflag:$0x9], $0x80, s23, s26, $0xb8;
	[tilespmem:$0x1F500] =	vst v63  }
0x8f: {  	_ =	swait.ge [sflag:s20], $0x3400  }
0x90: {  	[sflag:s20] =	ssyncset.done $0x0;
	s19 =	rddreg [dreg:$0x8]  }
0x91: {  	[sflag:s20] =	ssyncadd.s32 $0xFFFFCC00;
	s18 =	sadd.s32 s17, s19;
	s19 =	rddreg [dreg:$0xc]  }
0x92: {  	[hbm:s18], [sflag:s4] =	dma.local [spmem:s19], $0xC80  }
0x93: {  	_ =	swait.ge [sflag:s29], $0xC80  }
0x94: {  	[sflag:s29] =	ssyncset.done $0x0  }
0x95: {  	[sflag:s29] =	ssyncadd.s32 $0xFFFFF380  }
0x96: {  	p1 =	seq.s32 s17, $0xC1C000;
	_ =	swait.ge [sflag:s30], $0xC80  }
0x97: {  	s17 =	sadd.s32 @!p1 s17, s16;
	[sflag:s30] =	ssyncset.done $0x0  }
0x98: {  	s18 =	sadd.s32 @!p1 $0x64000, s17;
	s19 =	sshrl.u32 @!p1 s6, $0x3;
	[sflag:s30] =	ssyncadd.s32 $0xFFFFF380  }
0x99: {  	[spmem:s19], [sflag:s7] =	dma.local @!p1 [hbm:s18], $0xC80  }
0x9a: {  	[spmem:s13] =	stream.indirect.scatter.add.f32 [tilespmem:s5], [sflag:$0x9], $0x80, s22, s25, $0xb8;
	[tilespmem:$0x1F500] =	vst v63  }
0x9b: {  	_ =	swait.ge [sflag:s20], $0x3000  }
0x9c: {  	[sflag:s20] =	ssyncset.done $0x0  }
0x9d: {  	[sflag:s20] =	ssyncadd.s32 $0xFFFFD000  }
0x9e: {  	[spmem:s13] =	stream.indirect.scatter.add.f32 [tilespmem:s21], [sflag:$0x9], $0x80, s23, s26, $0xb8;
	[tilespmem:$0x1F500] =	vst v63  }
0x9f: {  	_ =	swait.ge [sflag:s20], $0x3400  }
0xa0: {  	[sflag:s20] =	ssyncset.done $0x0  }
0xa1: {  	s18 =	sadd.s32 $0x32000, s9;
	[sflag:s20] =	ssyncadd.s32 $0xFFFFCC00  }
0xa2: {  	[hbm:s18], [sflag:s2] =	dma.local [spmem:s1], $0xC80  }
0xa3: {  	_ =	swait.ge [sflag:s31], $0xC80  }
0xa4: {  	[sflag:s31] =	ssyncset.done $0x0  }
0xa5: {  	[sflag:s31] =	ssyncadd.s32 $0xFFFFF380  }
0xa6: {  	_ =	swait.ge [sflag:s0], $0xC80  }
0xa7: {  	[sflag:s0] =	ssyncset.done $0x0  }
0xa8: {  	s17 =	sadd.s32 @!p1 $0x7D000, s17;
	s18 =	sshrl.u32 @!p1 s10, $0x3;
	[sflag:s0] =	ssyncadd.s32 $0xFFFFF380  }
0xa9: {  	[spmem:s18], [sflag:s15] =	dma.local @!p1 [hbm:s17], $0xC80  }
0xaa: {  	[spmem:s14] =	stream.indirect.scatter.add.f32 [tilespmem:s5], [sflag:$0x9], $0x80, s22, s25, $0xb8;
	[tilespmem:$0x1F500] =	vst v63  }
0xab: {  	s8 =	sadd.s32 $0x64000, s8;
	_ =	swait.ge [sflag:s20], $0x3000  }
0xac: {  	p0 =	sne.s32 s8, $0xC80000;
	[sflag:s20] =	ssyncset.done $0x0  }
.Ltmp0:
0xad: {  	[sflag:s20] =	ssyncadd.s32 $0xFFFFD000;
	(pc) =	sbr.rel @p0 .LBB2_2-.Ltmp0, $4  }
0xae: {  	[spmem:s14] =	stream.indirect.scatter.add.f32 [tilespmem:s21], [sflag:$0x9], $0x80, s23, s26, $0xb8;
	[tilespmem:$0x1F500] =	vst v63  }
0xaf: {  	_ =	swait.ge [sflag:s20], $0x3400  }
0xb0: {  	s19 =	smov.u32 s7;
	s7 =	smov.u32 s11;
	[sflag:s20] =	ssyncset.done $0x0  }
0xb1: {  	s11 =	smov.u32 s15;
	s9 =	sadd.s32 $0x4B000, s9;
	[sflag:s20] =	ssyncadd.s32 $0xFFFFCC00  }
0xb2: {  	[hbm:s9], [sflag:s3] =	dma.local [spmem:s12], $0xC80  }
0xb3: {  	s1 =	simm.s32 $0x7  }
0xb4: {  	_ =	swait.ge [sflag:s1], $0xC80  }
0xb5: {  	[sflag:s1] =	ssyncset.done $0x0  }
0xb6: {  	s2 =	simm.s32 $0x8;
	[sflag:s1] =	ssyncadd.s32 $0xFFFFF380  }
0xb7: {  	_ =	swait.ge [sflag:s2], $0xC80  }
0xb8: {  	s17 =	rddreg [dreg:$0x12]  }
0xb9: {  	s18 =	rddreg [dreg:$0x11];
	s3 =	sadd.s32 $0x1, s17  }
0xba: {  	p0 =	sne.s32 s3, s18  }
.Ltmp1:
0xbb: {  	_ = 	snop;
	(pc) =	sbr.rel @p0 .LBB2_1-.Ltmp1, $3  }
0xbc: {  	_ =	sdelay $0x1  }
0xbd: {  	[sflag:s2] =	ssyncset.done $0x0  }
0xbe: {  	s8 =	rddreg [dreg:$0xc];
	[sflag:s2] =	ssyncadd.s32 $0xFFFFF380  }
0xbf: {  	_ =	sfence.sel $0x180000  }
0xc0: {  	[bflag:$0x0] =	sbarrier.arrive $0xFFFF  }
0xc1: {  	_ =	strace $0x90000047  }
0xc2: {  	s0 =	stileid.u32;
	[bflag:$0x2] =	sbarrier.arrive $0xFFFF  }
0xc3: {  	p0 =	sne.s32 s0, $0x0;
	s0 =	rddreg [dreg:$0x6]  }
0xc4: {  	s0 =	sadd.s32 @!p0 $0x100000, s0  }
0xc5: {  	[sflag:s0] =	ssyncadd.tile.s32 @!p0 $0x1;
	_ =	shalt  }
.Lfunc_end2:
_tile_overlayer_lowered:
.L_overlay_start_2:
0xc6: {  	(tag) =	ssettag $0x2  }
0xc7: {  	s0 =	rddreg [dreg:$0x0];
	s2 =	stileid.u32  }
0xc8: {  	s1 =	rddreg [dreg:$0x1];
	p0 =	sne.s32 s2, $0x0  }
0xc9: {  	s3 =	rddreg [dreg:$0x2];
	[bflag:$0x3] =	sbarrier.arrive $0xFFFF;
	s2 =	simm.s32 @!p0 $0x1C09  }
0xca: {  	[timem:s3], [sflag:s2] =	dma.local @!p0 [hbm:s0], s1  }
0xcb: {  	s0 =	simm.s32 @!p0 $0x9  }
0xcc: {  	_ =	swait.ge @!p0 [sflag:s0], s1  }
0xcd: {  	s1 =	ssub.s32 @!p0 $0x0, s1;
	[sflag:s0] =	ssyncset.done @!p0 $0x0  }
0xce: {  	[sflag:s0] =	ssyncadd.s32 @!p0 s1  }
0xcf: {  	[bflag:$0x3] =	sbarrier.arrive $0xFFFF  }
0xd0: {  	_ =	shalt  }

</sc_bundles>
